<compile_context>
chip_gen: v7x
topology: tpu7x:2x2x1
jax: 0.10.2.dev20260603
libtpu: 0.0.44.dev20260713+nightly
codegen_flags: <defaults>
</compile_context>

<pallas_src>
import functools

import jax
import jax.numpy as jnp
from jax import lax
from jax.experimental import pallas as pl
from jax.experimental.pallas import tpu as pltpu
from jax.experimental.pallas import tpu_sc as plsc

N_ROWS = 1000000
EMB_DIM = 64
BATCH = 4096
LANES = 128

_BN = 512
_NBUF = 6


@functools.cache
def _make_sc_gather():
    info = plsc.get_sparse_core_info()
    nc, ns = info.num_cores, info.num_subcores
    bpw = BATCH // (nc * ns)

    def body(user_hbm, item_hbm, users_hbm, pos_hbm, u_out, i_out,
             uidx_v, iidx_v, uslab, islab, uout_v, iout_v, usem, isem):
        c = lax.axis_index("c")
        s = lax.axis_index("s")
        wid = c * ns + s
        base = wid * bpw
        pltpu.sync_copy(users_hbm.at[pl.ds(base, bpw)], uidx_v.at[pl.ds(0, bpw)])
        pltpu.sync_copy(pos_hbm.at[pl.ds(base, bpw)], iidx_v.at[pl.ds(0, bpw)])

        def sidx(idx_v, gk):
            return idx_v[pl.ds(gk, 16)][0]

        def issue(tab_hbm, idx_v, slab, sem, gk, b):
            start = pl.multiple_of((sidx(idx_v, gk) >> 7) << 7, LANES)
            pltpu.async_copy(tab_hbm.at[:, pl.ds(start, LANES)],
                             slab.at[b], sem.at[b])

        def drain(tab_hbm, slab, sem, b):
            pltpu.make_async_copy(tab_hbm.at[:, pl.ds(0, LANES)],
                                  slab.at[b], sem.at[b]).wait()

        def extract(idx_v, slab, out_v, gk, b):
            lane = sidx(idx_v, gk) & (LANES - 1)
            cols = jnp.full((16,), lane, jnp.int32)
            outc = jnp.full((16,), gk, jnp.int32)
            for r in range(EMB_DIM // 16):
                rows = lax.iota(jnp.int32, 16) + (16 * r)
                vals = plsc.load_gather(slab.at[b], [rows, cols])
                plsc.store_scatter(out_v, [rows, outc], vals)

        for b in range(_NBUF):
            issue(user_hbm, uidx_v, uslab, usem, b, b)
            issue(item_hbm, iidx_v, islab, isem, b, b)

        def outer(gk, carry):
            b = lax.rem(gk, _NBUF)
            drain(user_hbm, uslab, usem, b)
            extract(uidx_v, uslab, uout_v, gk, b)
            drain(item_hbm, islab, isem, b)
            extract(iidx_v, islab, iout_v, gk, b)

            @pl.when(gk + _NBUF < bpw)
            def _():
                issue(user_hbm, uidx_v, uslab, usem, gk + _NBUF, b)
                issue(item_hbm, iidx_v, islab, isem, gk + _NBUF, b)
            return carry

        lax.fori_loop(0, bpw, outer, 0)
        pltpu.sync_copy(uout_v, u_out.at[:, pl.ds(base, bpw)])
        pltpu.sync_copy(iout_v, i_out.at[:, pl.ds(base, bpw)])

    return pl.kernel(
        body,
        mesh=plsc.VectorSubcoreMesh(core_axis_name="c", subcore_axis_name="s"),
        compiler_params=pltpu.CompilerParams(needs_layout_passes=False),
        out_type=[
            jax.ShapeDtypeStruct((EMB_DIM, BATCH), jnp.float32),
            jax.ShapeDtypeStruct((EMB_DIM, BATCH), jnp.float32),
        ],
        scratch_types=[
            pltpu.VMEM((bpw + 16,), jnp.int32),
            pltpu.VMEM((bpw + 16,), jnp.int32),
            pltpu.VMEM((_NBUF, EMB_DIM, LANES), jnp.float32),
            pltpu.VMEM((_NBUF, EMB_DIM, LANES), jnp.float32),
            pltpu.VMEM((EMB_DIM, bpw), jnp.float32),
            pltpu.VMEM((EMB_DIM, bpw), jnp.float32),
            pltpu.SemaphoreType.DMA((_NBUF,)),
            pltpu.SemaphoreType.DMA((_NBUF,)),
        ],
    )


def _normalize_bf16(x):
    norm = jnp.sqrt(jnp.sum(x * x, axis=0, keepdims=True))
    return (x / jnp.maximum(norm, 1e-12)).astype(jnp.bfloat16)


def _mm_body(u_ref, i_ref, o_ref, un_scratch):
    j = pl.program_id(0)

    @pl.when(j == 0)
    def _():
        un_scratch[...] = _normalize_bf16(u_ref[...])

    ib = _normalize_bf16(i_ref[...])
    o_ref[...] = lax.dot_general(
        un_scratch[...], ib,
        dimension_numbers=(((0,), (0,)), ((), ())),
        preferred_element_type=jnp.float32,
    )


def _tc_score(u_t, i_t):
    grid = (BATCH // _BN,)
    return pl.pallas_call(
        _mm_body,
        grid=grid,
        in_specs=[
            pl.BlockSpec((EMB_DIM, BATCH), lambda j: (0, 0)),
            pl.BlockSpec((EMB_DIM, _BN), lambda j: (0, j)),
        ],
        out_specs=pl.BlockSpec((BATCH, _BN), lambda j: (0, j)),
        out_shape=jax.ShapeDtypeStruct((BATCH, BATCH), jnp.float32),
        scratch_shapes=[pltpu.VMEM((EMB_DIM, BATCH), jnp.bfloat16)],
        compiler_params=pltpu.CompilerParams(
            fuse_transposed_lhs_in_matmul=True),
    )(u_t, i_t)


def kernel(user_embedding, item_embedding, users, pos_items):
    users = users.astype(jnp.int32)
    pos_items = pos_items.astype(jnp.int32)
    user_t = jnp.transpose(user_embedding)
    item_t = jnp.transpose(item_embedding)
    u_t, i_t = _make_sc_gather()(user_t, item_t, users, pos_items)
    return _tc_score(u_t, i_t)

# --- scband reference (transcript-rebuilt; emitter-appended) ---
"""Pipeline reference for scband-mf-1451698946826 (READ-ONLY COPY).

The authoritative reference and input builder live on the scoring server;
editing this copy changes nothing except your own understanding.
"""

import jax, jax.numpy as jnp
import numpy as np

N_USERS = 1000000
N_ITEMS = 1000000
EMB_DIM = 64
BATCH = 4096

def setup_inputs(seed: int = 0) -> dict:
    key = jax.random.key(seed)
    k1, k2, k3, k4 = jax.random.split(key, 4)
    user_embedding = jax.random.normal(k1, (N_USERS, EMB_DIM), dtype=jnp.float32) * 0.01
    item_embedding = jax.random.normal(k2, (N_ITEMS, EMB_DIM), dtype=jnp.float32) * 0.01
    users = jax.random.randint(k3, (BATCH,), 0, N_USERS, dtype=jnp.int64 if jax.config.jax_enable_x64 else jnp.int32)
    pos_items = jax.random.randint(k4, (BATCH,), 0, N_ITEMS, dtype=jnp.int64 if jax.config.jax_enable_x64 else jnp.int32)
    return {"user_embedding": user_embedding, "item_embedding": item_embedding, "users": users, "pos_items": pos_items}

def _normalize(x, eps=1e-12):
    # faithful to torch.nn.functional.normalize(p=2, dim=-1)
    norm = jnp.linalg.norm(x, ord=2, axis=-1, keepdims=True)
    return x / jnp.maximum(norm, eps)

def reference(user_embedding, item_embedding, users, pos_items):
    # MF._pre: gather rows from user/item tables, L2-normalize, dense score matrix
    u_e = jnp.take(user_embedding, users, axis=0)
    pos_i_e = jnp.take(item_embedding, pos_items, axis=0)
    u_e = _normalize(u_e)
    pos_i_e = _normalize(pos_i_e)
    batch_ratings = jnp.matmul(u_e, pos_i_e.T)
    return batch_ratings

if __name__ == "__main__":
    import jax
    _d = setup_inputs()
    print(jax.jit(kernel)(*tuple(_d.values())))

</pallas_src>

<mosaic_0001>
#map = affine_map<(d0, d1) -> (0, 0)>
#map1 = affine_map<(d0, d1) -> (0)>
module attributes {stable_mosaic.version = 14 : i64} {
  func.func @body(%arg0: i32, %arg1: i32, %arg2: memref<64x1000000xf32, #tpu.memory_space<hbm>>, %arg3: memref<64x1000000xf32, #tpu.memory_space<hbm>>, %arg4: memref<4096xi32, #tpu.memory_space<hbm>>, %arg5: memref<4096xi32, #tpu.memory_space<hbm>>, %arg6: memref<64x4096xf32, #tpu.memory_space<hbm>>, %arg7: memref<64x4096xf32, #tpu.memory_space<hbm>>, %arg8: memref<144xi32, #tpu.memory_space<vmem>>, %arg9: memref<144xi32, #tpu.memory_space<vmem>>, %arg10: memref<6x64x128xf32, #tpu.memory_space<vmem>>, %arg11: memref<6x64x128xf32, #tpu.memory_space<vmem>>, %arg12: memref<64x128xf32, #tpu.memory_space<vmem>>, %arg13: memref<64x128xf32, #tpu.memory_space<vmem>>, %arg14: memref<6x!tpu.dma_semaphore, #tpu.memory_space<semaphore_mem>>, %arg15: memref<6x!tpu.dma_semaphore, #tpu.memory_space<semaphore_mem>>) attributes {dimension_semantics = [#tpu.dimension_semantics<core_parallel>, #tpu.dimension_semantics<subcore_parallel>], iteration_bounds = array<i64: 2, 16>, scalar_prefetch = 0 : i64, scratch_operands = 8 : i64, tpu.core_type = #tpu.core_type<sc_vector_subcore>, window_params = [{transform_indices = #map}, {transform_indices = #map}, {transform_indices = #map1}, {transform_indices = #map1}, {transform_indices = #map}, {transform_indices = #map}]} {
    %mul3A = arith.constant 16 : i32
    %mul3A_0 = arith.muli %arg0, %mul3A : i32
    %add3A = arith.addi %mul3A_0, %arg1 : i32
    %mul3A_1 = arith.constant 128 : i32
    %mul3A_2 = arith.muli %add3A, %mul3A_1 : i32
    "tpu.region"() ({
      %run_scoped3A = tpu.sem_alloc : memref<!tpu.dma_semaphore, #tpu.memory_space<semaphore_mem>>
      %dma_start3A_301 = arith.constant 0 : i32
      %dma_start3A_302 = tpu.memref_slice %arg8[%dma_start3A_301] : memref<144xi32, #tpu.memory_space<vmem>> -> memref<128xi32, #tpu.memory_space<vmem>>
      %dma_start3A_303 = tpu.memref_slice %arg4[%mul3A_2] : memref<4096xi32, #tpu.memory_space<hbm>> -> memref<128xi32, #tpu.memory_space<hbm>>
      %dma_start3A_304 = arith.constant 0 : i32
      %dma_start3A_305 = tpu.memref_slice %arg8[%dma_start3A_304] : memref<144xi32, #tpu.memory_space<vmem>> -> memref<128xi32, #tpu.memory_space<vmem>>
      %dma_start3A_306 = tpu.memref_slice %arg4[%mul3A_2] : memref<4096xi32, #tpu.memory_space<hbm>> -> memref<128xi32, #tpu.memory_space<hbm>>
      tpu.enqueue_dma source(%dma_start3A_306 : memref<128xi32, #tpu.memory_space<hbm>>) target(%dma_start3A_305 : memref<128xi32, #tpu.memory_space<vmem>>) target_semaphore(%run_scoped3A : memref<!tpu.dma_semaphore, #tpu.memory_space<semaphore_mem>>)
      %dma_wait3A = arith.constant 0 : i32
      %dma_wait3A_307 = tpu.memref_slice %arg8[%dma_wait3A] : memref<144xi32, #tpu.memory_space<vmem>> -> memref<128xi32, #tpu.memory_space<vmem>>
      %dma_wait3A_308 = tpu.memref_slice %arg4[%mul3A_2] : memref<4096xi32, #tpu.memory_space<hbm>> -> memref<128xi32, #tpu.memory_space<hbm>>
      %dma_wait3A_309 = arith.constant 0 : i32
      %dma_wait3A_310 = tpu.memref_slice %arg8[%dma_wait3A_309] : memref<144xi32, #tpu.memory_space<vmem>> -> memref<128xi32, #tpu.memory_space<vmem>>
      %dma_wait3A_311 = tpu.memref_slice %arg4[%mul3A_2] : memref<4096xi32, #tpu.memory_space<hbm>> -> memref<128xi32, #tpu.memory_space<hbm>>
      tpu.wait_dma2 semaphore(%run_scoped3A : memref<!tpu.dma_semaphore, #tpu.memory_space<semaphore_mem>>) src(%dma_wait3A_311 : memref<128xi32, #tpu.memory_space<hbm>>) dst(%dma_wait3A_310 : memref<128xi32, #tpu.memory_space<vmem>>)
      tpu.yield
    }) : () -> ()
    "tpu.region"() ({
      %run_scoped3A = tpu.sem_alloc : memref<!tpu.dma_semaphore, #tpu.memory_space<semaphore_mem>>
      %dma_start3A_301 = arith.constant 0 : i32
      %dma_start3A_302 = tpu.memref_slice %arg9[%dma_start3A_301] : memref<144xi32, #tpu.memory_space<vmem>> -> memref<128xi32, #tpu.memory_space<vmem>>
      %dma_start3A_303 = tpu.memref_slice %arg5[%mul3A_2] : memref<4096xi32, #tpu.memory_space<hbm>> -> memref<128xi32, #tpu.memory_space<hbm>>
      %dma_start3A_304 = arith.constant 0 : i32
      %dma_start3A_305 = tpu.memref_slice %arg9[%dma_start3A_304] : memref<144xi32, #tpu.memory_space<vmem>> -> memref<128xi32, #tpu.memory_space<vmem>>
      %dma_start3A_306 = tpu.memref_slice %arg5[%mul3A_2] : memref<4096xi32, #tpu.memory_space<hbm>> -> memref<128xi32, #tpu.memory_space<hbm>>
      tpu.enqueue_dma source(%dma_start3A_306 : memref<128xi32, #tpu.memory_space<hbm>>) target(%dma_start3A_305 : memref<128xi32, #tpu.memory_space<vmem>>) target_semaphore(%run_scoped3A : memref<!tpu.dma_semaphore, #tpu.memory_space<semaphore_mem>>)
      %dma_wait3A = arith.constant 0 : i32
      %dma_wait3A_307 = tpu.memref_slice %arg9[%dma_wait3A] : memref<144xi32, #tpu.memory_space<vmem>> -> memref<128xi32, #tpu.memory_space<vmem>>
      %dma_wait3A_308 = tpu.memref_slice %arg5[%mul3A_2] : memref<4096xi32, #tpu.memory_space<hbm>> -> memref<128xi32, #tpu.memory_space<hbm>>
      %dma_wait3A_309 = arith.constant 0 : i32
      %dma_wait3A_310 = tpu.memref_slice %arg9[%dma_wait3A_309] : memref<144xi32, #tpu.memory_space<vmem>> -> memref<128xi32, #tpu.memory_space<vmem>>
      %dma_wait3A_311 = tpu.memref_slice %arg5[%mul3A_2] : memref<4096xi32, #tpu.memory_space<hbm>> -> memref<128xi32, #tpu.memory_space<hbm>>
      tpu.wait_dma2 semaphore(%run_scoped3A : memref<!tpu.dma_semaphore, #tpu.memory_space<semaphore_mem>>) src(%dma_wait3A_311 : memref<128xi32, #tpu.memory_space<hbm>>) dst(%dma_wait3A_310 : memref<128xi32, #tpu.memory_space<vmem>>)
      tpu.yield
    }) : () -> ()
    %get3A = arith.constant 0 : index
    %get3A_3 = tpu.vector_load %arg8[%get3A] {strides = array<i32>} : memref<144xi32, #tpu.memory_space<vmem>>, vector<16xi32>,
    %slice3A = vector.extract_strided_slice %get3A_3 {offsets = [0], sizes = [1], strides = [1]} : vector<16xi32> to vector<1xi32>
    %squeeze3A = vector.extract %slice3A[0] : i32 from vector<1xi32>
    %shift_right_arithmetic3A = arith.constant 7 : i32
    %shift_right_arithmetic3A_4 = arith.shrsi %squeeze3A, %shift_right_arithmetic3A : i32
    %shift_left3A = arith.constant 7 : i32
    %shift_left3A_5 = arith.shli %shift_right_arithmetic3A_4, %shift_left3A : i32
    %multiple_of3A = tpu.assume_multiple %shift_left3A_5, 128 : i32
    %dma_start3A = arith.constant 0 : i32
    %dma_start3A_6 = arith.constant 0 : i32
    %dma_start3A_7 = arith.constant 0 : i32
    %dma_start3A_8 = arith.constant 0 : i32
    %dma_start3A_9 = tpu.memref_slice %arg10[%dma_start3A, %dma_start3A_7, %dma_start3A_8] : memref<6x64x128xf32, #tpu.memory_space<vmem>> -> memref<1x64x128xf32, #tpu.memory_space<vmem>>
    %dma_start3A_10 = tpu.memref_squeeze %dma_start3A_9 : memref<1x64x128xf32, #tpu.memory_space<vmem>> -> memref<64x128xf32, #tpu.memory_space<vmem>>
    %dma_start3A_11 = arith.constant 0 : i32
    %dma_start3A_12 = tpu.memref_slice %arg2[%dma_start3A_11, %multiple_of3A] : memref<64x1000000xf32, #tpu.memory_space<hbm>> -> memref<64x128xf32, #tpu.memory_space<hbm>>
    %dma_start3A_13 = tpu.memref_slice %arg14[%dma_start3A_6] : memref<6x!tpu.dma_semaphore, #tpu.memory_space<semaphore_mem>> -> memref<1x!tpu.dma_semaphore, #tpu.memory_space<semaphore_mem>>
    %dma_start3A_14 = tpu.memref_squeeze %dma_start3A_13 : memref<1x!tpu.dma_semaphore, #tpu.memory_space<semaphore_mem>> -> memref<!tpu.dma_semaphore, #tpu.memory_space<semaphore_mem>>
    %dma_start3A_15 = arith.constant 0 : i32
    %dma_start3A_16 = arith.constant 0 : i32
    %dma_start3A_17 = tpu.memref_slice %arg10[%dma_start3A, %dma_start3A_15, %dma_start3A_16] : memref<6x64x128xf32, #tpu.memory_space<vmem>> -> memref<1x64x128xf32, #tpu.memory_space<vmem>>
    %dma_start3A_18 = tpu.memref_squeeze %dma_start3A_17 : memref<1x64x128xf32, #tpu.memory_space<vmem>> -> memref<64x128xf32, #tpu.memory_space<vmem>>
    %dma_start3A_19 = arith.constant 0 : i32
    %dma_start3A_20 = tpu.memref_slice %arg2[%dma_start3A_19, %multiple_of3A] : memref<64x1000000xf32, #tpu.memory_space<hbm>> -> memref<64x128xf32, #tpu.memory_space<hbm>>
    tpu.enqueue_dma source(%dma_start3A_20 : memref<64x128xf32, #tpu.memory_space<hbm>>) target(%dma_start3A_18 : memref<64x128xf32, #tpu.memory_space<vmem>>) target_semaphore(%dma_start3A_14 : memref<!tpu.dma_semaphore, #tpu.memory_space<semaphore_mem>>)
    %get3A_21 = arith.constant 0 : index
    %get3A_22 = tpu.vector_load %arg9[%get3A_21] {strides = array<i32>} : memref<144xi32, #tpu.memory_space<vmem>>, vector<16xi32>,
    %slice3A_23 = vector.extract_strided_slice %get3A_22 {offsets = [0], sizes = [1], strides = [1]} : vector<16xi32> to vector<1xi32>
    %squeeze3A_24 = vector.extract %slice3A_23[0] : i32 from vector<1xi32>
    %shift_right_arithmetic3A_25 = arith.constant 7 : i32
    %shift_right_arithmetic3A_26 = arith.shrsi %squeeze3A_24, %shift_right_arithmetic3A_25 : i32
    %shift_left3A_27 = arith.constant 7 : i32
    %shift_left3A_28 = arith.shli %shift_right_arithmetic3A_26, %shift_left3A_27 : i32
    %multiple_of3A_29 = tpu.assume_multiple %shift_left3A_28, 128 : i32
    %dma_start3A_30 = arith.constant 0 : i32
    %dma_start3A_31 = arith.constant 0 : i32
    %dma_start3A_32 = arith.constant 0 : i32
    %dma_start3A_33 = arith.constant 0 : i32
    %dma_start3A_34 = tpu.memref_slice %arg11[%dma_start3A_30, %dma_start3A_32, %dma_start3A_33] : memref<6x64x128xf32, #tpu.memory_space<vmem>> -> memref<1x64x128xf32, #tpu.memory_space<vmem>>
    %dma_start3A_35 = tpu.memref_squeeze %dma_start3A_34 : memref<1x64x128xf32, #tpu.memory_space<vmem>> -> memref<64x128xf32, #tpu.memory_space<vmem>>
    %dma_start3A_36 = arith.constant 0 : i32
    %dma_start3A_37 = tpu.memref_slice %arg3[%dma_start3A_36, %multiple_of3A_29] : memref<64x1000000xf32, #tpu.memory_space<hbm>> -> memref<64x128xf32, #tpu.memory_space<hbm>>
    %dma_start3A_38 = tpu.memref_slice %arg15[%dma_start3A_31] : memref<6x!tpu.dma_semaphore, #tpu.memory_space<semaphore_mem>> -> memref<1x!tpu.dma_semaphore, #tpu.memory_space<semaphore_mem>>
    %dma_start3A_39 = tpu.memref_squeeze %dma_start3A_38 : memref<1x!tpu.dma_semaphore, #tpu.memory_space<semaphore_mem>> -> memref<!tpu.dma_semaphore, #tpu.memory_space<semaphore_mem>>
    %dma_start3A_40 = arith.constant 0 : i32
    %dma_start3A_41 = arith.constant 0 : i32
    %dma_start3A_42 = tpu.memref_slice %arg11[%dma_start3A_30, %dma_start3A_40, %dma_start3A_41] : memref<6x64x128xf32, #tpu.memory_space<vmem>> -> memref<1x64x128xf32, #tpu.memory_space<vmem>>
    %dma_start3A_43 = tpu.memref_squeeze %dma_start3A_42 : memref<1x64x128xf32, #tpu.memory_space<vmem>> -> memref<64x128xf32, #tpu.memory_space<vmem>>
    %dma_start3A_44 = arith.constant 0 : i32
    %dma_start3A_45 = tpu.memref_slice %arg3[%dma_start3A_44, %multiple_of3A_29] : memref<64x1000000xf32, #tpu.memory_space<hbm>> -> memref<64x128xf32, #tpu.memory_space<hbm>>
    tpu.enqueue_dma source(%dma_start3A_45 : memref<64x128xf32, #tpu.memory_space<hbm>>) target(%dma_start3A_43 : memref<64x128xf32, #tpu.memory_space<vmem>>) target_semaphore(%dma_start3A_39 : memref<!tpu.dma_semaphore, #tpu.memory_space<semaphore_mem>>)
    %get3A_46 = arith.constant 1 : index
    %get3A_47 = tpu.vector_load %arg8[%get3A_46] {strides = array<i32>} : memref<144xi32, #tpu.memory_space<vmem>>, vector<16xi32>,
    %slice3A_48 = vector.extract_strided_slice %get3A_47 {offsets = [0], sizes = [1], strides = [1]} : vector<16xi32> to vector<1xi32>
    %squeeze3A_49 = vector.extract %slice3A_48[0] : i32 from vector<1xi32>
    %shift_right_arithmetic3A_50 = arith.constant 7 : i32
    %shift_right_arithmetic3A_51 = arith.shrsi %squeeze3A_49, %shift_right_arithmetic3A_50 : i32
    %shift_left3A_52 = arith.constant 7 : i32
    %shift_left3A_53 = arith.shli %shift_right_arithmetic3A_51, %shift_left3A_52 : i32
    %multiple_of3A_54 = tpu.assume_multiple %shift_left3A_53, 128 : i32
    %dma_start3A_55 = arith.constant 1 : i32
    %dma_start3A_56 = arith.constant 1 : i32
    %dma_start3A_57 = arith.constant 0 : i32
    %dma_start3A_58 = arith.constant 0 : i32
    %dma_start3A_59 = tpu.memref_slice %arg10[%dma_start3A_55, %dma_start3A_57, %dma_start3A_58] : memref<6x64x128xf32, #tpu.memory_space<vmem>> -> memref<1x64x128xf32, #tpu.memory_space<vmem>>
    %dma_start3A_60 = tpu.memref_squeeze %dma_start3A_59 : memref<1x64x128xf32, #tpu.memory_space<vmem>> -> memref<64x128xf32, #tpu.memory_space<vmem>>
    %dma_start3A_61 = arith.constant 0 : i32
    %dma_start3A_62 = tpu.memref_slice %arg2[%dma_start3A_61, %multiple_of3A_54] : memref<64x1000000xf32, #tpu.memory_space<hbm>> -> memref<64x128xf32, #tpu.memory_space<hbm>>
    %dma_start3A_63 = tpu.memref_slice %arg14[%dma_start3A_56] : memref<6x!tpu.dma_semaphore, #tpu.memory_space<semaphore_mem>> -> memref<1x!tpu.dma_semaphore, #tpu.memory_space<semaphore_mem>>
    %dma_start3A_64 = tpu.memref_squeeze %dma_start3A_63 : memref<1x!tpu.dma_semaphore, #tpu.memory_space<semaphore_mem>> -> memref<!tpu.dma_semaphore, #tpu.memory_space<semaphore_mem>>
    %dma_start3A_65 = arith.constant 0 : i32
    %dma_start3A_66 = arith.constant 0 : i32
    %dma_start3A_67 = tpu.memref_slice %arg10[%dma_start3A_55, %dma_start3A_65, %dma_start3A_66] : memref<6x64x128xf32, #tpu.memory_space<vmem>> -> memref<1x64x128xf32, #tpu.memory_space<vmem>>
    %dma_start3A_68 = tpu.memref_squeeze %dma_start3A_67 : memref<1x64x128xf32, #tpu.memory_space<vmem>> -> memref<64x128xf32, #tpu.memory_space<vmem>>
    %dma_start3A_69 = arith.constant 0 : i32
    %dma_start3A_70 = tpu.memref_slice %arg2[%dma_start3A_69, %multiple_of3A_54] : memref<64x1000000xf32, #tpu.memory_space<hbm>> -> memref<64x128xf32, #tpu.memory_space<hbm>>
    tpu.enqueue_dma source(%dma_start3A_70 : memref<64x128xf32, #tpu.memory_space<hbm>>) target(%dma_start3A_68 : memref<64x128xf32, #tpu.memory_space<vmem>>) target_semaphore(%dma_start3A_64 : memref<!tpu.dma_semaphore, #tpu.memory_space<semaphore_mem>>)
    %get3A_71 = arith.constant 1 : index
    %get3A_72 = tpu.vector_load %arg9[%get3A_71] {strides = array<i32>} : memref<144xi32, #tpu.memory_space<vmem>>, vector<16xi32>,
    %slice3A_73 = vector.extract_strided_slice %get3A_72 {offsets = [0], sizes = [1], strides = [1]} : vector<16xi32> to vector<1xi32>
    %squeeze3A_74 = vector.extract %slice3A_73[0] : i32 from vector<1xi32>
    %shift_right_arithmetic3A_75 = arith.constant 7 : i32
    %shift_right_arithmetic3A_76 = arith.shrsi %squeeze3A_74, %shift_right_arithmetic3A_75 : i32
    %shift_left3A_77 = arith.constant 7 : i32
    %shift_left3A_78 = arith.shli %shift_right_arithmetic3A_76, %shift_left3A_77 : i32
    %multiple_of3A_79 = tpu.assume_multiple %shift_left3A_78, 128 : i32
    %dma_start3A_80 = arith.constant 1 : i32
    %dma_start3A_81 = arith.constant 1 : i32
    %dma_start3A_82 = arith.constant 0 : i32
    %dma_start3A_83 = arith.constant 0 : i32
    %dma_start3A_84 = tpu.memref_slice %arg11[%dma_start3A_80, %dma_start3A_82, %dma_start3A_83] : memref<6x64x128xf32, #tpu.memory_space<vmem>> -> memref<1x64x128xf32, #tpu.memory_space<vmem>>
    %dma_start3A_85 = tpu.memref_squeeze %dma_start3A_84 : memref<1x64x128xf32, #tpu.memory_space<vmem>> -> memref<64x128xf32, #tpu.memory_space<vmem>>
    %dma_start3A_86 = arith.constant 0 : i32
    %dma_start3A_87 = tpu.memref_slice %arg3[%dma_start3A_86, %multiple_of3A_79] : memref<64x1000000xf32, #tpu.memory_space<hbm>> -> memref<64x128xf32, #tpu.memory_space<hbm>>
    %dma_start3A_88 = tpu.memref_slice %arg15[%dma_start3A_81] : memref<6x!tpu.dma_semaphore, #tpu.memory_space<semaphore_mem>> -> memref<1x!tpu.dma_semaphore, #tpu.memory_space<semaphore_mem>>
    %dma_start3A_89 = tpu.memref_squeeze %dma_start3A_88 : memref<1x!tpu.dma_semaphore, #tpu.memory_space<semaphore_mem>> -> memref<!tpu.dma_semaphore, #tpu.memory_space<semaphore_mem>>
    %dma_start3A_90 = arith.constant 0 : i32
    %dma_start3A_91 = arith.constant 0 : i32
    %dma_start3A_92 = tpu.memref_slice %arg11[%dma_start3A_80, %dma_start3A_90, %dma_start3A_91] : memref<6x64x128xf32, #tpu.memory_space<vmem>> -> memref<1x64x128xf32, #tpu.memory_space<vmem>>
    %dma_start3A_93 = tpu.memref_squeeze %dma_start3A_92 : memref<1x64x128xf32, #tpu.memory_space<vmem>> -> memref<64x128xf32, #tpu.memory_space<vmem>>
    %dma_start3A_94 = arith.constant 0 : i32
    %dma_start3A_95 = tpu.memref_slice %arg3[%dma_start3A_94, %multiple_of3A_79] : memref<64x1000000xf32, #tpu.memory_space<hbm>> -> memref<64x128xf32, #tpu.memory_space<hbm>>
    tpu.enqueue_dma source(%dma_start3A_95 : memref<64x128xf32, #tpu.memory_space<hbm>>) target(%dma_start3A_93 : memref<64x128xf32, #tpu.memory_space<vmem>>) target_semaphore(%dma_start3A_89 : memref<!tpu.dma_semaphore, #tpu.memory_space<semaphore_mem>>)
    %get3A_96 = arith.constant 2 : index
    %get3A_97 = tpu.vector_load %arg8[%get3A_96] {strides = array<i32>} : memref<144xi32, #tpu.memory_space<vmem>>, vector<16xi32>,
    %slice3A_98 = vector.extract_strided_slice %get3A_97 {offsets = [0], sizes = [1], strides = [1]} : vector<16xi32> to vector<1xi32>
    %squeeze3A_99 = vector.extract %slice3A_98[0] : i32 from vector<1xi32>
    %shift_right_arithmetic3A_100 = arith.constant 7 : i32
    %shift_right_arithmetic3A_101 = arith.shrsi %squeeze3A_99, %shift_right_arithmetic3A_100 : i32
    %shift_left3A_102 = arith.constant 7 : i32
    %shift_left3A_103 = arith.shli %shift_right_arithmetic3A_101, %shift_left3A_102 : i32
    %multiple_of3A_104 = tpu.assume_multiple %shift_left3A_103, 128 : i32
    %dma_start3A_105 = arith.constant 2 : i32
    %dma_start3A_106 = arith.constant 2 : i32
    %dma_start3A_107 = arith.constant 0 : i32
    %dma_start3A_108 = arith.constant 0 : i32
    %dma_start3A_109 = tpu.memref_slice %arg10[%dma_start3A_105, %dma_start3A_107, %dma_start3A_108] : memref<6x64x128xf32, #tpu.memory_space<vmem>> -> memref<1x64x128xf32, #tpu.memory_space<vmem>>
    %dma_start3A_110 = tpu.memref_squeeze %dma_start3A_109 : memref<1x64x128xf32, #tpu.memory_space<vmem>> -> memref<64x128xf32, #tpu.memory_space<vmem>>
    %dma_start3A_111 = arith.constant 0 : i32
    %dma_start3A_112 = tpu.memref_slice %arg2[%dma_start3A_111, %multiple_of3A_104] : memref<64x1000000xf32, #tpu.memory_space<hbm>> -> memref<64x128xf32, #tpu.memory_space<hbm>>
    %dma_start3A_113 = tpu.memref_slice %arg14[%dma_start3A_106] : memref<6x!tpu.dma_semaphore, #tpu.memory_space<semaphore_mem>> -> memref<1x!tpu.dma_semaphore, #tpu.memory_space<semaphore_mem>>
    %dma_start3A_114 = tpu.memref_squeeze %dma_start3A_113 : memref<1x!tpu.dma_semaphore, #tpu.memory_space<semaphore_mem>> -> memref<!tpu.dma_semaphore, #tpu.memory_space<semaphore_mem>>
    %dma_start3A_115 = arith.constant 0 : i32
    %dma_start3A_116 = arith.constant 0 : i32
    %dma_start3A_117 = tpu.memref_slice %arg10[%dma_start3A_105, %dma_start3A_115, %dma_start3A_116] : memref<6x64x128xf32, #tpu.memory_space<vmem>> -> memref<1x64x128xf32, #tpu.memory_space<vmem>>
    %dma_start3A_118 = tpu.memref_squeeze %dma_start3A_117 : memref<1x64x128xf32, #tpu.memory_space<vmem>> -> memref<64x128xf32, #tpu.memory_space<vmem>>
    %dma_start3A_119 = arith.constant 0 : i32
    %dma_start3A_120 = tpu.memref_slice %arg2[%dma_start3A_119, %multiple_of3A_104] : memref<64x1000000xf32, #tpu.memory_space<hbm>> -> memref<64x128xf32, #tpu.memory_space<hbm>>
    tpu.enqueue_dma source(%dma_start3A_120 : memref<64x128xf32, #tpu.memory_space<hbm>>) target(%dma_start3A_118 : memref<64x128xf32, #tpu.memory_space<vmem>>) target_semaphore(%dma_start3A_114 : memref<!tpu.dma_semaphore, #tpu.memory_space<semaphore_mem>>)
    %get3A_121 = arith.constant 2 : index
    %get3A_122 = tpu.vector_load %arg9[%get3A_121] {strides = array<i32>} : memref<144xi32, #tpu.memory_space<vmem>>, vector<16xi32>,
    %slice3A_123 = vector.extract_strided_slice %get3A_122 {offsets = [0], sizes = [1], strides = [1]} : vector<16xi32> to vector<1xi32>
    %squeeze3A_124 = vector.extract %slice3A_123[0] : i32 from vector<1xi32>
    %shift_right_arithmetic3A_125 = arith.constant 7 : i32
    %shift_right_arithmetic3A_126 = arith.shrsi %squeeze3A_124, %shift_right_arithmetic3A_125 : i32
    %shift_left3A_127 = arith.constant 7 : i32
    %shift_left3A_128 = arith.shli %shift_right_arithmetic3A_126, %shift_left3A_127 : i32
    %multiple_of3A_129 = tpu.assume_multiple %shift_left3A_128, 128 : i32
    %dma_start3A_130 = arith.constant 2 : i32
    %dma_start3A_131 = arith.constant 2 : i32
    %dma_start3A_132 = arith.constant 0 : i32
    %dma_start3A_133 = arith.constant 0 : i32
    %dma_start3A_134 = tpu.memref_slice %arg11[%dma_start3A_130, %dma_start3A_132, %dma_start3A_133] : memref<6x64x128xf32, #tpu.memory_space<vmem>> -> memref<1x64x128xf32, #tpu.memory_space<vmem>>
    %dma_start3A_135 = tpu.memref_squeeze %dma_start3A_134 : memref<1x64x128xf32, #tpu.memory_space<vmem>> -> memref<64x128xf32, #tpu.memory_space<vmem>>
    %dma_start3A_136 = arith.constant 0 : i32
    %dma_start3A_137 = tpu.memref_slice %arg3[%dma_start3A_136, %multiple_of3A_129] : memref<64x1000000xf32, #tpu.memory_space<hbm>> -> memref<64x128xf32, #tpu.memory_space<hbm>>
    %dma_start3A_138 = tpu.memref_slice %arg15[%dma_start3A_131] : memref<6x!tpu.dma_semaphore, #tpu.memory_space<semaphore_mem>> -> memref<1x!tpu.dma_semaphore, #tpu.memory_space<semaphore_mem>>
    %dma_start3A_139 = tpu.memref_squeeze %dma_start3A_138 : memref<1x!tpu.dma_semaphore, #tpu.memory_space<semaphore_mem>> -> memref<!tpu.dma_semaphore, #tpu.memory_space<semaphore_mem>>
    %dma_start3A_140 = arith.constant 0 : i32
    %dma_start3A_141 = arith.constant 0 : i32
    %dma_start3A_142 = tpu.memref_slice %arg11[%dma_start3A_130, %dma_start3A_140, %dma_start3A_141] : memref<6x64x128xf32, #tpu.memory_space<vmem>> -> memref<1x64x128xf32, #tpu.memory_space<vmem>>
    %dma_start3A_143 = tpu.memref_squeeze %dma_start3A_142 : memref<1x64x128xf32, #tpu.memory_space<vmem>> -> memref<64x128xf32, #tpu.memory_space<vmem>>
    %dma_start3A_144 = arith.constant 0 : i32
    %dma_start3A_145 = tpu.memref_slice %arg3[%dma_start3A_144, %multiple_of3A_129] : memref<64x1000000xf32, #tpu.memory_space<hbm>> -> memref<64x128xf32, #tpu.memory_space<hbm>>
    tpu.enqueue_dma source(%dma_start3A_145 : memref<64x128xf32, #tpu.memory_space<hbm>>) target(%dma_start3A_143 : memref<64x128xf32, #tpu.memory_space<vmem>>) target_semaphore(%dma_start3A_139 : memref<!tpu.dma_semaphore, #tpu.memory_space<semaphore_mem>>)
    %get3A_146 = arith.constant 3 : index
    %get3A_147 = tpu.vector_load %arg8[%get3A_146] {strides = array<i32>} : memref<144xi32, #tpu.memory_space<vmem>>, vector<16xi32>,
    %slice3A_148 = vector.extract_strided_slice %get3A_147 {offsets = [0], sizes = [1], strides = [1]} : vector<16xi32> to vector<1xi32>
    %squeeze3A_149 = vector.extract %slice3A_148[0] : i32 from vector<1xi32>
    %shift_right_arithmetic3A_150 = arith.constant 7 : i32
    %shift_right_arithmetic3A_151 = arith.shrsi %squeeze3A_149, %shift_right_arithmetic3A_150 : i32
    %shift_left3A_152 = arith.constant 7 : i32
    %shift_left3A_153 = arith.shli %shift_right_arithmetic3A_151, %shift_left3A_152 : i32
    %multiple_of3A_154 = tpu.assume_multiple %shift_left3A_153, 128 : i32
    %dma_start3A_155 = arith.constant 3 : i32
    %dma_start3A_156 = arith.constant 3 : i32
    %dma_start3A_157 = arith.constant 0 : i32
    %dma_start3A_158 = arith.constant 0 : i32
    %dma_start3A_159 = tpu.memref_slice %arg10[%dma_start3A_155, %dma_start3A_157, %dma_start3A_158] : memref<6x64x128xf32, #tpu.memory_space<vmem>> -> memref<1x64x128xf32, #tpu.memory_space<vmem>>
    %dma_start3A_160 = tpu.memref_squeeze %dma_start3A_159 : memref<1x64x128xf32, #tpu.memory_space<vmem>> -> memref<64x128xf32, #tpu.memory_space<vmem>>
    %dma_start3A_161 = arith.constant 0 : i32
    %dma_start3A_162 = tpu.memref_slice %arg2[%dma_start3A_161, %multiple_of3A_154] : memref<64x1000000xf32, #tpu.memory_space<hbm>> -> memref<64x128xf32, #tpu.memory_space<hbm>>
    %dma_start3A_163 = tpu.memref_slice %arg14[%dma_start3A_156] : memref<6x!tpu.dma_semaphore, #tpu.memory_space<semaphore_mem>> -> memref<1x!tpu.dma_semaphore, #tpu.memory_space<semaphore_mem>>
    %dma_start3A_164 = tpu.memref_squeeze %dma_start3A_163 : memref<1x!tpu.dma_semaphore, #tpu.memory_space<semaphore_mem>> -> memref<!tpu.dma_semaphore, #tpu.memory_space<semaphore_mem>>
    %dma_start3A_165 = arith.constant 0 : i32
    %dma_start3A_166 = arith.constant 0 : i32
    %dma_start3A_167 = tpu.memref_slice %arg10[%dma_start3A_155, %dma_start3A_165, %dma_start3A_166] : memref<6x64x128xf32, #tpu.memory_space<vmem>> -> memref<1x64x128xf32, #tpu.memory_space<vmem>>
    %dma_start3A_168 = tpu.memref_squeeze %dma_start3A_167 : memref<1x64x128xf32, #tpu.memory_space<vmem>> -> memref<64x128xf32, #tpu.memory_space<vmem>>
    %dma_start3A_169 = arith.constant 0 : i32
    %dma_start3A_170 = tpu.memref_slice %arg2[%dma_start3A_169, %multiple_of3A_154] : memref<64x1000000xf32, #tpu.memory_space<hbm>> -> memref<64x128xf32, #tpu.memory_space<hbm>>
    tpu.enqueue_dma source(%dma_start3A_170 : memref<64x128xf32, #tpu.memory_space<hbm>>) target(%dma_start3A_168 : memref<64x128xf32, #tpu.memory_space<vmem>>) target_semaphore(%dma_start3A_164 : memref<!tpu.dma_semaphore, #tpu.memory_space<semaphore_mem>>)
    %get3A_171 = arith.constant 3 : index
    %get3A_172 = tpu.vector_load %arg9[%get3A_171] {strides = array<i32>} : memref<144xi32, #tpu.memory_space<vmem>>, vector<16xi32>,
    %slice3A_173 = vector.extract_strided_slice %get3A_172 {offsets = [0], sizes = [1], strides = [1]} : vector<16xi32> to vector<1xi32>
    %squeeze3A_174 = vector.extract %slice3A_173[0] : i32 from vector<1xi32>
    %shift_right_arithmetic3A_175 = arith.constant 7 : i32
    %shift_right_arithmetic3A_176 = arith.shrsi %squeeze3A_174, %shift_right_arithmetic3A_175 : i32
    %shift_left3A_177 = arith.constant 7 : i32
    %shift_left3A_178 = arith.shli %shift_right_arithmetic3A_176, %shift_left3A_177 : i32
    %multiple_of3A_179 = tpu.assume_multiple %shift_left3A_178, 128 : i32
    %dma_start3A_180 = arith.constant 3 : i32
    %dma_start3A_181 = arith.constant 3 : i32
    %dma_start3A_182 = arith.constant 0 : i32
    %dma_start3A_183 = arith.constant 0 : i32
    %dma_start3A_184 = tpu.memref_slice %arg11[%dma_start3A_180, %dma_start3A_182, %dma_start3A_183] : memref<6x64x128xf32, #tpu.memory_space<vmem>> -> memref<1x64x128xf32, #tpu.memory_space<vmem>>
    %dma_start3A_185 = tpu.memref_squeeze %dma_start3A_184 : memref<1x64x128xf32, #tpu.memory_space<vmem>> -> memref<64x128xf32, #tpu.memory_space<vmem>>
    %dma_start3A_186 = arith.constant 0 : i32
    %dma_start3A_187 = tpu.memref_slice %arg3[%dma_start3A_186, %multiple_of3A_179] : memref<64x1000000xf32, #tpu.memory_space<hbm>> -> memref<64x128xf32, #tpu.memory_space<hbm>>
    %dma_start3A_188 = tpu.memref_slice %arg15[%dma_start3A_181] : memref<6x!tpu.dma_semaphore, #tpu.memory_space<semaphore_mem>> -> memref<1x!tpu.dma_semaphore, #tpu.memory_space<semaphore_mem>>
    %dma_start3A_189 = tpu.memref_squeeze %dma_start3A_188 : memref<1x!tpu.dma_semaphore, #tpu.memory_space<semaphore_mem>> -> memref<!tpu.dma_semaphore, #tpu.memory_space<semaphore_mem>>
    %dma_start3A_190 = arith.constant 0 : i32
    %dma_start3A_191 = arith.constant 0 : i32
    %dma_start3A_192 = tpu.memref_slice %arg11[%dma_start3A_180, %dma_start3A_190, %dma_start3A_191] : memref<6x64x128xf32, #tpu.memory_space<vmem>> -> memref<1x64x128xf32, #tpu.memory_space<vmem>>
    %dma_start3A_193 = tpu.memref_squeeze %dma_start3A_192 : memref<1x64x128xf32, #tpu.memory_space<vmem>> -> memref<64x128xf32, #tpu.memory_space<vmem>>
    %dma_start3A_194 = arith.constant 0 : i32
    %dma_start3A_195 = tpu.memref_slice %arg3[%dma_start3A_194, %multiple_of3A_179] : memref<64x1000000xf32, #tpu.memory_space<hbm>> -> memref<64x128xf32, #tpu.memory_space<hbm>>
    tpu.enqueue_dma source(%dma_start3A_195 : memref<64x128xf32, #tpu.memory_space<hbm>>) target(%dma_start3A_193 : memref<64x128xf32, #tpu.memory_space<vmem>>) target_semaphore(%dma_start3A_189 : memref<!tpu.dma_semaphore, #tpu.memory_space<semaphore_mem>>)
    %get3A_196 = arith.constant 4 : index
    %get3A_197 = tpu.vector_load %arg8[%get3A_196] {strides = array<i32>} : memref<144xi32, #tpu.memory_space<vmem>>, vector<16xi32>,
    %slice3A_198 = vector.extract_strided_slice %get3A_197 {offsets = [0], sizes = [1], strides = [1]} : vector<16xi32> to vector<1xi32>
    %squeeze3A_199 = vector.extract %slice3A_198[0] : i32 from vector<1xi32>
    %shift_right_arithmetic3A_200 = arith.constant 7 : i32
    %shift_right_arithmetic3A_201 = arith.shrsi %squeeze3A_199, %shift_right_arithmetic3A_200 : i32
    %shift_left3A_202 = arith.constant 7 : i32
    %shift_left3A_203 = arith.shli %shift_right_arithmetic3A_201, %shift_left3A_202 : i32
    %multiple_of3A_204 = tpu.assume_multiple %shift_left3A_203, 128 : i32
    %dma_start3A_205 = arith.constant 4 : i32
    %dma_start3A_206 = arith.constant 4 : i32
    %dma_start3A_207 = arith.constant 0 : i32
    %dma_start3A_208 = arith.constant 0 : i32
    %dma_start3A_209 = tpu.memref_slice %arg10[%dma_start3A_205, %dma_start3A_207, %dma_start3A_208] : memref<6x64x128xf32, #tpu.memory_space<vmem>> -> memref<1x64x128xf32, #tpu.memory_space<vmem>>
    %dma_start3A_210 = tpu.memref_squeeze %dma_start3A_209 : memref<1x64x128xf32, #tpu.memory_space<vmem>> -> memref<64x128xf32, #tpu.memory_space<vmem>>
    %dma_start3A_211 = arith.constant 0 : i32
    %dma_start3A_212 = tpu.memref_slice %arg2[%dma_start3A_211, %multiple_of3A_204] : memref<64x1000000xf32, #tpu.memory_space<hbm>> -> memref<64x128xf32, #tpu.memory_space<hbm>>
    %dma_start3A_213 = tpu.memref_slice %arg14[%dma_start3A_206] : memref<6x!tpu.dma_semaphore, #tpu.memory_space<semaphore_mem>> -> memref<1x!tpu.dma_semaphore, #tpu.memory_space<semaphore_mem>>
    %dma_start3A_214 = tpu.memref_squeeze %dma_start3A_213 : memref<1x!tpu.dma_semaphore, #tpu.memory_space<semaphore_mem>> -> memref<!tpu.dma_semaphore, #tpu.memory_space<semaphore_mem>>
    %dma_start3A_215 = arith.constant 0 : i32
    %dma_start3A_216 = arith.constant 0 : i32
    %dma_start3A_217 = tpu.memref_slice %arg10[%dma_start3A_205, %dma_start3A_215, %dma_start3A_216] : memref<6x64x128xf32, #tpu.memory_space<vmem>> -> memref<1x64x128xf32, #tpu.memory_space<vmem>>
    %dma_start3A_218 = tpu.memref_squeeze %dma_start3A_217 : memref<1x64x128xf32, #tpu.memory_space<vmem>> -> memref<64x128xf32, #tpu.memory_space<vmem>>
    %dma_start3A_219 = arith.constant 0 : i32
    %dma_start3A_220 = tpu.memref_slice %arg2[%dma_start3A_219, %multiple_of3A_204] : memref<64x1000000xf32, #tpu.memory_space<hbm>> -> memref<64x128xf32, #tpu.memory_space<hbm>>
    tpu.enqueue_dma source(%dma_start3A_220 : memref<64x128xf32, #tpu.memory_space<hbm>>) target(%dma_start3A_218 : memref<64x128xf32, #tpu.memory_space<vmem>>) target_semaphore(%dma_start3A_214 : memref<!tpu.dma_semaphore, #tpu.memory_space<semaphore_mem>>)
    %get3A_221 = arith.constant 4 : index
    %get3A_222 = tpu.vector_load %arg9[%get3A_221] {strides = array<i32>} : memref<144xi32, #tpu.memory_space<vmem>>, vector<16xi32>,
    %slice3A_223 = vector.extract_strided_slice %get3A_222 {offsets = [0], sizes = [1], strides = [1]} : vector<16xi32> to vector<1xi32>
    %squeeze3A_224 = vector.extract %slice3A_223[0] : i32 from vector<1xi32>
    %shift_right_arithmetic3A_225 = arith.constant 7 : i32
    %shift_right_arithmetic3A_226 = arith.shrsi %squeeze3A_224, %shift_right_arithmetic3A_225 : i32
    %shift_left3A_227 = arith.constant 7 : i32
    %shift_left3A_228 = arith.shli %shift_right_arithmetic3A_226, %shift_left3A_227 : i32
    %multiple_of3A_229 = tpu.assume_multiple %shift_left3A_228, 128 : i32
    %dma_start3A_230 = arith.constant 4 : i32
    %dma_start3A_231 = arith.constant 4 : i32
    %dma_start3A_232 = arith.constant 0 : i32
    %dma_start3A_233 = arith.constant 0 : i32
    %dma_start3A_234 = tpu.memref_slice %arg11[%dma_start3A_230, %dma_start3A_232, %dma_start3A_233] : memref<6x64x128xf32, #tpu.memory_space<vmem>> -> memref<1x64x128xf32, #tpu.memory_space<vmem>>
    %dma_start3A_235 = tpu.memref_squeeze %dma_start3A_234 : memref<1x64x128xf32, #tpu.memory_space<vmem>> -> memref<64x128xf32, #tpu.memory_space<vmem>>
    %dma_start3A_236 = arith.constant 0 : i32
    %dma_start3A_237 = tpu.memref_slice %arg3[%dma_start3A_236, %multiple_of3A_229] : memref<64x1000000xf32, #tpu.memory_space<hbm>> -> memref<64x128xf32, #tpu.memory_space<hbm>>
    %dma_start3A_238 = tpu.memref_slice %arg15[%dma_start3A_231] : memref<6x!tpu.dma_semaphore, #tpu.memory_space<semaphore_mem>> -> memref<1x!tpu.dma_semaphore, #tpu.memory_space<semaphore_mem>>
    %dma_start3A_239 = tpu.memref_squeeze %dma_start3A_238 : memref<1x!tpu.dma_semaphore, #tpu.memory_space<semaphore_mem>> -> memref<!tpu.dma_semaphore, #tpu.memory_space<semaphore_mem>>
    %dma_start3A_240 = arith.constant 0 : i32
    %dma_start3A_241 = arith.constant 0 : i32
    %dma_start3A_242 = tpu.memref_slice %arg11[%dma_start3A_230, %dma_start3A_240, %dma_start3A_241] : memref<6x64x128xf32, #tpu.memory_space<vmem>> -> memref<1x64x128xf32, #tpu.memory_space<vmem>>
    %dma_start3A_243 = tpu.memref_squeeze %dma_start3A_242 : memref<1x64x128xf32, #tpu.memory_space<vmem>> -> memref<64x128xf32, #tpu.memory_space<vmem>>
    %dma_start3A_244 = arith.constant 0 : i32
    %dma_start3A_245 = tpu.memref_slice %arg3[%dma_start3A_244, %multiple_of3A_229] : memref<64x1000000xf32, #tpu.memory_space<hbm>> -> memref<64x128xf32, #tpu.memory_space<hbm>>
    tpu.enqueue_dma source(%dma_start3A_245 : memref<64x128xf32, #tpu.memory_space<hbm>>) target(%dma_start3A_243 : memref<64x128xf32, #tpu.memory_space<vmem>>) target_semaphore(%dma_start3A_239 : memref<!tpu.dma_semaphore, #tpu.memory_space<semaphore_mem>>)
    %get3A_246 = arith.constant 5 : index
    %get3A_247 = tpu.vector_load %arg8[%get3A_246] {strides = array<i32>} : memref<144xi32, #tpu.memory_space<vmem>>, vector<16xi32>,
    %slice3A_248 = vector.extract_strided_slice %get3A_247 {offsets = [0], sizes = [1], strides = [1]} : vector<16xi32> to vector<1xi32>
    %squeeze3A_249 = vector.extract %slice3A_248[0] : i32 from vector<1xi32>
    %shift_right_arithmetic3A_250 = arith.constant 7 : i32
    %shift_right_arithmetic3A_251 = arith.shrsi %squeeze3A_249, %shift_right_arithmetic3A_250 : i32
    %shift_left3A_252 = arith.constant 7 : i32
    %shift_left3A_253 = arith.shli %shift_right_arithmetic3A_251, %shift_left3A_252 : i32
    %multiple_of3A_254 = tpu.assume_multiple %shift_left3A_253, 128 : i32
    %dma_start3A_255 = arith.constant 5 : i32
    %dma_start3A_256 = arith.constant 5 : i32
    %dma_start3A_257 = arith.constant 0 : i32
    %dma_start3A_258 = arith.constant 0 : i32
    %dma_start3A_259 = tpu.memref_slice %arg10[%dma_start3A_255, %dma_start3A_257, %dma_start3A_258] : memref<6x64x128xf32, #tpu.memory_space<vmem>> -> memref<1x64x128xf32, #tpu.memory_space<vmem>>
    %dma_start3A_260 = tpu.memref_squeeze %dma_start3A_259 : memref<1x64x128xf32, #tpu.memory_space<vmem>> -> memref<64x128xf32, #tpu.memory_space<vmem>>
    %dma_start3A_261 = arith.constant 0 : i32
    %dma_start3A_262 = tpu.memref_slice %arg2[%dma_start3A_261, %multiple_of3A_254] : memref<64x1000000xf32, #tpu.memory_space<hbm>> -> memref<64x128xf32, #tpu.memory_space<hbm>>
    %dma_start3A_263 = tpu.memref_slice %arg14[%dma_start3A_256] : memref<6x!tpu.dma_semaphore, #tpu.memory_space<semaphore_mem>> -> memref<1x!tpu.dma_semaphore, #tpu.memory_space<semaphore_mem>>
    %dma_start3A_264 = tpu.memref_squeeze %dma_start3A_263 : memref<1x!tpu.dma_semaphore, #tpu.memory_space<semaphore_mem>> -> memref<!tpu.dma_semaphore, #tpu.memory_space<semaphore_mem>>
    %dma_start3A_265 = arith.constant 0 : i32
    %dma_start3A_266 = arith.constant 0 : i32
    %dma_start3A_267 = tpu.memref_slice %arg10[%dma_start3A_255, %dma_start3A_265, %dma_start3A_266] : memref<6x64x128xf32, #tpu.memory_space<vmem>> -> memref<1x64x128xf32, #tpu.memory_space<vmem>>
    %dma_start3A_268 = tpu.memref_squeeze %dma_start3A_267 : memref<1x64x128xf32, #tpu.memory_space<vmem>> -> memref<64x128xf32, #tpu.memory_space<vmem>>
    %dma_start3A_269 = arith.constant 0 : i32
    %dma_start3A_270 = tpu.memref_slice %arg2[%dma_start3A_269, %multiple_of3A_254] : memref<64x1000000xf32, #tpu.memory_space<hbm>> -> memref<64x128xf32, #tpu.memory_space<hbm>>
    tpu.enqueue_dma source(%dma_start3A_270 : memref<64x128xf32, #tpu.memory_space<hbm>>) target(%dma_start3A_268 : memref<64x128xf32, #tpu.memory_space<vmem>>) target_semaphore(%dma_start3A_264 : memref<!tpu.dma_semaphore, #tpu.memory_space<semaphore_mem>>)
    %get3A_271 = arith.constant 5 : index
    %get3A_272 = tpu.vector_load %arg9[%get3A_271] {strides = array<i32>} : memref<144xi32, #tpu.memory_space<vmem>>, vector<16xi32>,
    %slice3A_273 = vector.extract_strided_slice %get3A_272 {offsets = [0], sizes = [1], strides = [1]} : vector<16xi32> to vector<1xi32>
    %squeeze3A_274 = vector.extract %slice3A_273[0] : i32 from vector<1xi32>
    %shift_right_arithmetic3A_275 = arith.constant 7 : i32
    %shift_right_arithmetic3A_276 = arith.shrsi %squeeze3A_274, %shift_right_arithmetic3A_275 : i32
    %shift_left3A_277 = arith.constant 7 : i32
    %shift_left3A_278 = arith.shli %shift_right_arithmetic3A_276, %shift_left3A_277 : i32
    %multiple_of3A_279 = tpu.assume_multiple %shift_left3A_278, 128 : i32
    %dma_start3A_280 = arith.constant 5 : i32
    %dma_start3A_281 = arith.constant 5 : i32
    %dma_start3A_282 = arith.constant 0 : i32
    %dma_start3A_283 = arith.constant 0 : i32
    %dma_start3A_284 = tpu.memref_slice %arg11[%dma_start3A_280, %dma_start3A_282, %dma_start3A_283] : memref<6x64x128xf32, #tpu.memory_space<vmem>> -> memref<1x64x128xf32, #tpu.memory_space<vmem>>
    %dma_start3A_285 = tpu.memref_squeeze %dma_start3A_284 : memref<1x64x128xf32, #tpu.memory_space<vmem>> -> memref<64x128xf32, #tpu.memory_space<vmem>>
    %dma_start3A_286 = arith.constant 0 : i32
    %dma_start3A_287 = tpu.memref_slice %arg3[%dma_start3A_286, %multiple_of3A_279] : memref<64x1000000xf32, #tpu.memory_space<hbm>> -> memref<64x128xf32, #tpu.memory_space<hbm>>
    %dma_start3A_288 = tpu.memref_slice %arg15[%dma_start3A_281] : memref<6x!tpu.dma_semaphore, #tpu.memory_space<semaphore_mem>> -> memref<1x!tpu.dma_semaphore, #tpu.memory_space<semaphore_mem>>
    %dma_start3A_289 = tpu.memref_squeeze %dma_start3A_288 : memref<1x!tpu.dma_semaphore, #tpu.memory_space<semaphore_mem>> -> memref<!tpu.dma_semaphore, #tpu.memory_space<semaphore_mem>>
    %dma_start3A_290 = arith.constant 0 : i32
    %dma_start3A_291 = arith.constant 0 : i32
    %dma_start3A_292 = tpu.memref_slice %arg11[%dma_start3A_280, %dma_start3A_290, %dma_start3A_291] : memref<6x64x128xf32, #tpu.memory_space<vmem>> -> memref<1x64x128xf32, #tpu.memory_space<vmem>>
    %dma_start3A_293 = tpu.memref_squeeze %dma_start3A_292 : memref<1x64x128xf32, #tpu.memory_space<vmem>> -> memref<64x128xf32, #tpu.memory_space<vmem>>
    %dma_start3A_294 = arith.constant 0 : i32
    %dma_start3A_295 = tpu.memref_slice %arg3[%dma_start3A_294, %multiple_of3A_279] : memref<64x1000000xf32, #tpu.memory_space<hbm>> -> memref<64x128xf32, #tpu.memory_space<hbm>>
    tpu.enqueue_dma source(%dma_start3A_295 : memref<64x128xf32, #tpu.memory_space<hbm>>) target(%dma_start3A_293 : memref<64x128xf32, #tpu.memory_space<vmem>>) target_semaphore(%dma_start3A_289 : memref<!tpu.dma_semaphore, #tpu.memory_space<semaphore_mem>>)
    %scan3A = arith.constant 0 : i32
    %scan3A_296 = arith.constant 0 : i32
    %scan3A_297 = arith.constant 128 : i32
    %scan3A_298 = arith.addi %scan3A_296, %scan3A_297 : i32
    %scan3A_299 = arith.constant 1 : i32
    scf.for %scan3A_301 = %scan3A_296 to %scan3A_298 step %scan3A_299  : i32 {
      %rem3A = arith.constant 6 : i32
      %rem3A_302 = arith.remsi %scan3A_301, %rem3A : i32
      %dma_wait3A = arith.constant 0 : i32
      %dma_wait3A_303 = arith.constant 0 : i32
      %dma_wait3A_304 = tpu.memref_slice %arg10[%rem3A_302, %dma_wait3A, %dma_wait3A_303] : memref<6x64x128xf32, #tpu.memory_space<vmem>> -> memref<1x64x128xf32, #tpu.memory_space<vmem>>
      %dma_wait3A_305 = tpu.memref_squeeze %dma_wait3A_304 : memref<1x64x128xf32, #tpu.memory_space<vmem>> -> memref<64x128xf32, #tpu.memory_space<vmem>>
      %dma_wait3A_306 = arith.constant 0 : i32
      %dma_wait3A_307 = arith.constant 0 : i32
      %dma_wait3A_308 = tpu.memref_slice %arg2[%dma_wait3A_306, %dma_wait3A_307] : memref<64x1000000xf32, #tpu.memory_space<hbm>> -> memref<64x128xf32, #tpu.memory_space<hbm>>
      %dma_wait3A_309 = tpu.memref_slice %arg14[%rem3A_302] : memref<6x!tpu.dma_semaphore, #tpu.memory_space<semaphore_mem>> -> memref<1x!tpu.dma_semaphore, #tpu.memory_space<semaphore_mem>>
      %dma_wait3A_310 = tpu.memref_squeeze %dma_wait3A_309 : memref<1x!tpu.dma_semaphore, #tpu.memory_space<semaphore_mem>> -> memref<!tpu.dma_semaphore, #tpu.memory_space<semaphore_mem>>
      %dma_wait3A_311 = arith.constant 0 : i32
      %dma_wait3A_312 = arith.constant 0 : i32
      %dma_wait3A_313 = tpu.memref_slice %arg10[%rem3A_302, %dma_wait3A_311, %dma_wait3A_312] : memref<6x64x128xf32, #tpu.memory_space<vmem>> -> memref<1x64x128xf32, #tpu.memory_space<vmem>>
      %dma_wait3A_314 = tpu.memref_squeeze %dma_wait3A_313 : memref<1x64x128xf32, #tpu.memory_space<vmem>> -> memref<64x128xf32, #tpu.memory_space<vmem>>
      %dma_wait3A_315 = arith.constant 0 : i32
      %dma_wait3A_316 = arith.constant 0 : i32
      %dma_wait3A_317 = tpu.memref_slice %arg2[%dma_wait3A_315, %dma_wait3A_316] : memref<64x1000000xf32, #tpu.memory_space<hbm>> -> memref<64x128xf32, #tpu.memory_space<hbm>>
      tpu.wait_dma2 semaphore(%dma_wait3A_310 : memref<!tpu.dma_semaphore, #tpu.memory_space<semaphore_mem>>) src(%dma_wait3A_317 : memref<64x128xf32, #tpu.memory_space<hbm>>) dst(%dma_wait3A_314 : memref<64x128xf32, #tpu.memory_space<vmem>>)
      %get3A_318 = arith.index_cast %scan3A_301 : i32 to index
      %get3A_319 = tpu.vector_load %arg8[%get3A_318] {strides = array<i32>} : memref<144xi32, #tpu.memory_space<vmem>>, vector<16xi32>,
      %slice3A_320 = vector.extract_strided_slice %get3A_319 {offsets = [0], sizes = [1], strides = [1]} : vector<16xi32> to vector<1xi32>
      %squeeze3A_321 = vector.extract %slice3A_320[0] : i32 from vector<1xi32>
      %and3A = arith.constant 127 : i32
      %and3A_322 = arith.andi %squeeze3A_321, %and3A : i32
      %broadcast_in_dim3A = vector.broadcast %and3A_322 : i32 to vector<16xi32>
      %broadcast_in_dim3A_323 = vector.broadcast %scan3A_301 : i32 to vector<16xi32>
      %iota3A = tpu.iota {dimensions = array<i32: 0>} : vector<16xi32>
      %add3A_324 = arith.constant 0 : i32
      %add3A_325 = vector.broadcast %add3A_324 : i32 to vector<16xi32>
      %add3A_326 = arith.addi %iota3A, %add3A_325 : vector<16xi32>
      %gather3A = arith.constant 0 : i32
      %gather3A_327 = arith.constant 0 : i32
      %gather3A_328 = tpu.memref_slice %arg10[%rem3A_302, %gather3A, %gather3A_327] : memref<6x64x128xf32, #tpu.memory_space<vmem>> -> memref<1x64x128xf32, #tpu.memory_space<vmem>>
      %gather3A_329 = tpu.memref_squeeze %gather3A_328 : memref<1x64x128xf32, #tpu.memory_space<vmem>> -> memref<64x128xf32, #tpu.memory_space<vmem>>
      %gather3A_330 = tpu.vector_load_idx %gather3A_329[%add3A_326, %broadcast_in_dim3A] : memref<64x128xf32, #tpu.memory_space<vmem>>[vector<16xi32>, vector<16xi32>], vector<16xf32>,
      tpu.vector_store_idx %arg12[%add3A_326, %broadcast_in_dim3A_323], %gather3A_330 : memref<64x128xf32, #tpu.memory_space<vmem>>[vector<16xi32>, vector<16xi32>], vector<16xf32>,
      %iota3A_331 = tpu.iota {dimensions = array<i32: 0>} : vector<16xi32>
      %add3A_332 = arith.constant 16 : i32
      %add3A_333 = vector.broadcast %add3A_332 : i32 to vector<16xi32>
      %add3A_334 = arith.addi %iota3A_331, %add3A_333 : vector<16xi32>
      %gather3A_335 = arith.constant 0 : i32
      %gather3A_336 = arith.constant 0 : i32
      %gather3A_337 = tpu.memref_slice %arg10[%rem3A_302, %gather3A_335, %gather3A_336] : memref<6x64x128xf32, #tpu.memory_space<vmem>> -> memref<1x64x128xf32, #tpu.memory_space<vmem>>
      %gather3A_338 = tpu.memref_squeeze %gather3A_337 : memref<1x64x128xf32, #tpu.memory_space<vmem>> -> memref<64x128xf32, #tpu.memory_space<vmem>>
      %gather3A_339 = tpu.vector_load_idx %gather3A_338[%add3A_334, %broadcast_in_dim3A] : memref<64x128xf32, #tpu.memory_space<vmem>>[vector<16xi32>, vector<16xi32>], vector<16xf32>,
      tpu.vector_store_idx %arg12[%add3A_334, %broadcast_in_dim3A_323], %gather3A_339 : memref<64x128xf32, #tpu.memory_space<vmem>>[vector<16xi32>, vector<16xi32>], vector<16xf32>,
      %iota3A_340 = tpu.iota {dimensions = array<i32: 0>} : vector<16xi32>
      %add3A_341 = arith.constant 32 : i32
      %add3A_342 = vector.broadcast %add3A_341 : i32 to vector<16xi32>
      %add3A_343 = arith.addi %iota3A_340, %add3A_342 : vector<16xi32>
      %gather3A_344 = arith.constant 0 : i32
      %gather3A_345 = arith.constant 0 : i32
      %gather3A_346 = tpu.memref_slice %arg10[%rem3A_302, %gather3A_344, %gather3A_345] : memref<6x64x128xf32, #tpu.memory_space<vmem>> -> memref<1x64x128xf32, #tpu.memory_space<vmem>>
      %gather3A_347 = tpu.memref_squeeze %gather3A_346 : memref<1x64x128xf32, #tpu.memory_space<vmem>> -> memref<64x128xf32, #tpu.memory_space<vmem>>
      %gather3A_348 = tpu.vector_load_idx %gather3A_347[%add3A_343, %broadcast_in_dim3A] : memref<64x128xf32, #tpu.memory_space<vmem>>[vector<16xi32>, vector<16xi32>], vector<16xf32>,
      tpu.vector_store_idx %arg12[%add3A_343, %broadcast_in_dim3A_323], %gather3A_348 : memref<64x128xf32, #tpu.memory_space<vmem>>[vector<16xi32>, vector<16xi32>], vector<16xf32>,
      %iota3A_349 = tpu.iota {dimensions = array<i32: 0>} : vector<16xi32>
      %add3A_350 = arith.constant 48 : i32
      %add3A_351 = vector.broadcast %add3A_350 : i32 to vector<16xi32>
      %add3A_352 = arith.addi %iota3A_349, %add3A_351 : vector<16xi32>
      %gather3A_353 = arith.constant 0 : i32
      %gather3A_354 = arith.constant 0 : i32
      %gather3A_355 = tpu.memref_slice %arg10[%rem3A_302, %gather3A_353, %gather3A_354] : memref<6x64x128xf32, #tpu.memory_space<vmem>> -> memref<1x64x128xf32, #tpu.memory_space<vmem>>
      %gather3A_356 = tpu.memref_squeeze %gather3A_355 : memref<1x64x128xf32, #tpu.memory_space<vmem>> -> memref<64x128xf32, #tpu.memory_space<vmem>>
      %gather3A_357 = tpu.vector_load_idx %gather3A_356[%add3A_352, %broadcast_in_dim3A] : memref<64x128xf32, #tpu.memory_space<vmem>>[vector<16xi32>, vector<16xi32>], vector<16xf32>,
      tpu.vector_store_idx %arg12[%add3A_352, %broadcast_in_dim3A_323], %gather3A_357 : memref<64x128xf32, #tpu.memory_space<vmem>>[vector<16xi32>, vector<16xi32>], vector<16xf32>,
      %dma_wait3A_358 = arith.constant 0 : i32
      %dma_wait3A_359 = arith.constant 0 : i32
      %dma_wait3A_360 = tpu.memref_slice %arg11[%rem3A_302, %dma_wait3A_358, %dma_wait3A_359] : memref<6x64x128xf32, #tpu.memory_space<vmem>> -> memref<1x64x128xf32, #tpu.memory_space<vmem>>
      %dma_wait3A_361 = tpu.memref_squeeze %dma_wait3A_360 : memref<1x64x128xf32, #tpu.memory_space<vmem>> -> memref<64x128xf32, #tpu.memory_space<vmem>>
      %dma_wait3A_362 = arith.constant 0 : i32
      %dma_wait3A_363 = arith.constant 0 : i32
      %dma_wait3A_364 = tpu.memref_slice %arg3[%dma_wait3A_362, %dma_wait3A_363] : memref<64x1000000xf32, #tpu.memory_space<hbm>> -> memref<64x128xf32, #tpu.memory_space<hbm>>
      %dma_wait3A_365 = tpu.memref_slice %arg15[%rem3A_302] : memref<6x!tpu.dma_semaphore, #tpu.memory_space<semaphore_mem>> -> memref<1x!tpu.dma_semaphore, #tpu.memory_space<semaphore_mem>>
      %dma_wait3A_366 = tpu.memref_squeeze %dma_wait3A_365 : memref<1x!tpu.dma_semaphore, #tpu.memory_space<semaphore_mem>> -> memref<!tpu.dma_semaphore, #tpu.memory_space<semaphore_mem>>
      %dma_wait3A_367 = arith.constant 0 : i32
      %dma_wait3A_368 = arith.constant 0 : i32
      %dma_wait3A_369 = tpu.memref_slice %arg11[%rem3A_302, %dma_wait3A_367, %dma_wait3A_368] : memref<6x64x128xf32, #tpu.memory_space<vmem>> -> memref<1x64x128xf32, #tpu.memory_space<vmem>>
      %dma_wait3A_370 = tpu.memref_squeeze %dma_wait3A_369 : memref<1x64x128xf32, #tpu.memory_space<vmem>> -> memref<64x128xf32, #tpu.memory_space<vmem>>
      %dma_wait3A_371 = arith.constant 0 : i32
      %dma_wait3A_372 = arith.constant 0 : i32
      %dma_wait3A_373 = tpu.memref_slice %arg3[%dma_wait3A_371, %dma_wait3A_372] : memref<64x1000000xf32, #tpu.memory_space<hbm>> -> memref<64x128xf32, #tpu.memory_space<hbm>>
      tpu.wait_dma2 semaphore(%dma_wait3A_366 : memref<!tpu.dma_semaphore, #tpu.memory_space<semaphore_mem>>) src(%dma_wait3A_373 : memref<64x128xf32, #tpu.memory_space<hbm>>) dst(%dma_wait3A_370 : memref<64x128xf32, #tpu.memory_space<vmem>>)
      %get3A_374 = arith.index_cast %scan3A_301 : i32 to index
      %get3A_375 = tpu.vector_load %arg9[%get3A_374] {strides = array<i32>} : memref<144xi32, #tpu.memory_space<vmem>>, vector<16xi32>,
      %slice3A_376 = vector.extract_strided_slice %get3A_375 {offsets = [0], sizes = [1], strides = [1]} : vector<16xi32> to vector<1xi32>
      %squeeze3A_377 = vector.extract %slice3A_376[0] : i32 from vector<1xi32>
      %and3A_378 = arith.constant 127 : i32
      %and3A_379 = arith.andi %squeeze3A_377, %and3A_378 : i32
      %broadcast_in_dim3A_380 = vector.broadcast %and3A_379 : i32 to vector<16xi32>
      %broadcast_in_dim3A_381 = vector.broadcast %scan3A_301 : i32 to vector<16xi32>
      %iota3A_382 = tpu.iota {dimensions = array<i32: 0>} : vector<16xi32>
      %add3A_383 = arith.constant 0 : i32
      %add3A_384 = vector.broadcast %add3A_383 : i32 to vector<16xi32>
      %add3A_385 = arith.addi %iota3A_382, %add3A_384 : vector<16xi32>
      %gather3A_386 = arith.constant 0 : i32
      %gather3A_387 = arith.constant 0 : i32
      %gather3A_388 = tpu.memref_slice %arg11[%rem3A_302, %gather3A_386, %gather3A_387] : memref<6x64x128xf32, #tpu.memory_space<vmem>> -> memref<1x64x128xf32, #tpu.memory_space<vmem>>
      %gather3A_389 = tpu.memref_squeeze %gather3A_388 : memref<1x64x128xf32, #tpu.memory_space<vmem>> -> memref<64x128xf32, #tpu.memory_space<vmem>>
      %gather3A_390 = tpu.vector_load_idx %gather3A_389[%add3A_385, %broadcast_in_dim3A_380] : memref<64x128xf32, #tpu.memory_space<vmem>>[vector<16xi32>, vector<16xi32>], vector<16xf32>,
      tpu.vector_store_idx %arg13[%add3A_385, %broadcast_in_dim3A_381], %gather3A_390 : memref<64x128xf32, #tpu.memory_space<vmem>>[vector<16xi32>, vector<16xi32>], vector<16xf32>,
      %iota3A_391 = tpu.iota {dimensions = array<i32: 0>} : vector<16xi32>
      %add3A_392 = arith.constant 16 : i32
      %add3A_393 = vector.broadcast %add3A_392 : i32 to vector<16xi32>
      %add3A_394 = arith.addi %iota3A_391, %add3A_393 : vector<16xi32>
      %gather3A_395 = arith.constant 0 : i32
      %gather3A_396 = arith.constant 0 : i32
      %gather3A_397 = tpu.memref_slice %arg11[%rem3A_302, %gather3A_395, %gather3A_396] : memref<6x64x128xf32, #tpu.memory_space<vmem>> -> memref<1x64x128xf32, #tpu.memory_space<vmem>>
      %gather3A_398 = tpu.memref_squeeze %gather3A_397 : memref<1x64x128xf32, #tpu.memory_space<vmem>> -> memref<64x128xf32, #tpu.memory_space<vmem>>
      %gather3A_399 = tpu.vector_load_idx %gather3A_398[%add3A_394, %broadcast_in_dim3A_380] : memref<64x128xf32, #tpu.memory_space<vmem>>[vector<16xi32>, vector<16xi32>], vector<16xf32>,
      tpu.vector_store_idx %arg13[%add3A_394, %broadcast_in_dim3A_381], %gather3A_399 : memref<64x128xf32, #tpu.memory_space<vmem>>[vector<16xi32>, vector<16xi32>], vector<16xf32>,
      %iota3A_400 = tpu.iota {dimensions = array<i32: 0>} : vector<16xi32>
      %add3A_401 = arith.constant 32 : i32
      %add3A_402 = vector.broadcast %add3A_401 : i32 to vector<16xi32>
      %add3A_403 = arith.addi %iota3A_400, %add3A_402 : vector<16xi32>
      %gather3A_404 = arith.constant 0 : i32
      %gather3A_405 = arith.constant 0 : i32
      %gather3A_406 = tpu.memref_slice %arg11[%rem3A_302, %gather3A_404, %gather3A_405] : memref<6x64x128xf32, #tpu.memory_space<vmem>> -> memref<1x64x128xf32, #tpu.memory_space<vmem>>
      %gather3A_407 = tpu.memref_squeeze %gather3A_406 : memref<1x64x128xf32, #tpu.memory_space<vmem>> -> memref<64x128xf32, #tpu.memory_space<vmem>>
      %gather3A_408 = tpu.vector_load_idx %gather3A_407[%add3A_403, %broadcast_in_dim3A_380] : memref<64x128xf32, #tpu.memory_space<vmem>>[vector<16xi32>, vector<16xi32>], vector<16xf32>,
      tpu.vector_store_idx %arg13[%add3A_403, %broadcast_in_dim3A_381], %gather3A_408 : memref<64x128xf32, #tpu.memory_space<vmem>>[vector<16xi32>, vector<16xi32>], vector<16xf32>,
      %iota3A_409 = tpu.iota {dimensions = array<i32: 0>} : vector<16xi32>
      %add3A_410 = arith.constant 48 : i32
      %add3A_411 = vector.broadcast %add3A_410 : i32 to vector<16xi32>
      %add3A_412 = arith.addi %iota3A_409, %add3A_411 : vector<16xi32>
      %gather3A_413 = arith.constant 0 : i32
      %gather3A_414 = arith.constant 0 : i32
      %gather3A_415 = tpu.memref_slice %arg11[%rem3A_302, %gather3A_413, %gather3A_414] : memref<6x64x128xf32, #tpu.memory_space<vmem>> -> memref<1x64x128xf32, #tpu.memory_space<vmem>>
      %gather3A_416 = tpu.memref_squeeze %gather3A_415 : memref<1x64x128xf32, #tpu.memory_space<vmem>> -> memref<64x128xf32, #tpu.memory_space<vmem>>
      %gather3A_417 = tpu.vector_load_idx %gather3A_416[%add3A_412, %broadcast_in_dim3A_380] : memref<64x128xf32, #tpu.memory_space<vmem>>[vector<16xi32>, vector<16xi32>], vector<16xf32>,
      tpu.vector_store_idx %arg13[%add3A_412, %broadcast_in_dim3A_381], %gather3A_417 : memref<64x128xf32, #tpu.memory_space<vmem>>[vector<16xi32>, vector<16xi32>], vector<16xf32>,
      %add3A_418 = arith.constant 6 : i32
      %add3A_419 = arith.addi %scan3A_301, %add3A_418 : i32
      %lt3A = arith.constant 128 : i32
      %lt3A_420 = arith.cmpi slt, %add3A_419, %lt3A : i32
      %convert_element_type3A = arith.extui %lt3A_420 : i1 to i32
      %cond3A = arith.constant 0 : i32
      %cond3A_421 = arith.cmpi ne, %convert_element_type3A, %cond3A : i32
      scf.if %cond3A_421 {
        %add3A_422 = arith.constant 6 : i32
        %add3A_423 = arith.addi %scan3A_301, %add3A_422 : i32
        %get3A_424 = arith.index_cast %add3A_423 : i32 to index
        %get3A_425 = tpu.vector_load %arg8[%get3A_424] {strides = array<i32>} : memref<144xi32, #tpu.memory_space<vmem>>, vector<16xi32>,
        %slice3A_426 = vector.extract_strided_slice %get3A_425 {offsets = [0], sizes = [1], strides = [1]} : vector<16xi32> to vector<1xi32>
        %squeeze3A_427 = vector.extract %slice3A_426[0] : i32 from vector<1xi32>
        %shift_right_arithmetic3A_428 = arith.constant 7 : i32
        %shift_right_arithmetic3A_429 = arith.shrsi %squeeze3A_427, %shift_right_arithmetic3A_428 : i32
        %shift_left3A_430 = arith.constant 7 : i32
        %shift_left3A_431 = arith.shli %shift_right_arithmetic3A_429, %shift_left3A_430 : i32
        %multiple_of3A_432 = tpu.assume_multiple %shift_left3A_431, 128 : i32
        %dma_start3A_433 = arith.constant 0 : i32
        %dma_start3A_434 = arith.constant 0 : i32
        %dma_start3A_435 = tpu.memref_slice %arg10[%rem3A_302, %dma_start3A_433, %dma_start3A_434] : memref<6x64x128xf32, #tpu.memory_space<vmem>> -> memref<1x64x128xf32, #tpu.memory_space<vmem>>
        %dma_start3A_436 = tpu.memref_squeeze %dma_start3A_435 : memref<1x64x128xf32, #tpu.memory_space<vmem>> -> memref<64x128xf32, #tpu.memory_space<vmem>>
        %dma_start3A_437 = arith.constant 0 : i32
        %dma_start3A_438 = tpu.memref_slice %arg2[%dma_start3A_437, %multiple_of3A_432] : memref<64x1000000xf32, #tpu.memory_space<hbm>> -> memref<64x128xf32, #tpu.memory_space<hbm>>
        %dma_start3A_439 = tpu.memref_slice %arg14[%rem3A_302] : memref<6x!tpu.dma_semaphore, #tpu.memory_space<semaphore_mem>> -> memref<1x!tpu.dma_semaphore, #tpu.memory_space<semaphore_mem>>
        %dma_start3A_440 = tpu.memref_squeeze %dma_start3A_439 : memref<1x!tpu.dma_semaphore, #tpu.memory_space<semaphore_mem>> -> memref<!tpu.dma_semaphore, #tpu.memory_space<semaphore_mem>>
        %dma_start3A_441 = arith.constant 0 : i32
        %dma_start3A_442 = arith.constant 0 : i32
        %dma_start3A_443 = tpu.memref_slice %arg10[%rem3A_302, %dma_start3A_441, %dma_start3A_442] : memref<6x64x128xf32, #tpu.memory_space<vmem>> -> memref<1x64x128xf32, #tpu.memory_space<vmem>>
        %dma_start3A_444 = tpu.memref_squeeze %dma_start3A_443 : memref<1x64x128xf32, #tpu.memory_space<vmem>> -> memref<64x128xf32, #tpu.memory_space<vmem>>
        %dma_start3A_445 = arith.constant 0 : i32
        %dma_start3A_446 = tpu.memref_slice %arg2[%dma_start3A_445, %multiple_of3A_432] : memref<64x1000000xf32, #tpu.memory_space<hbm>> -> memref<64x128xf32, #tpu.memory_space<hbm>>
        tpu.enqueue_dma source(%dma_start3A_446 : memref<64x128xf32, #tpu.memory_space<hbm>>) target(%dma_start3A_444 : memref<64x128xf32, #tpu.memory_space<vmem>>) target_semaphore(%dma_start3A_440 : memref<!tpu.dma_semaphore, #tpu.memory_space<semaphore_mem>>)
        %add3A_447 = arith.constant 6 : i32
        %add3A_448 = arith.addi %scan3A_301, %add3A_447 : i32
        %get3A_449 = arith.index_cast %add3A_448 : i32 to index
        %get3A_450 = tpu.vector_load %arg9[%get3A_449] {strides = array<i32>} : memref<144xi32, #tpu.memory_space<vmem>>, vector<16xi32>,
        %slice3A_451 = vector.extract_strided_slice %get3A_450 {offsets = [0], sizes = [1], strides = [1]} : vector<16xi32> to vector<1xi32>
        %squeeze3A_452 = vector.extract %slice3A_451[0] : i32 from vector<1xi32>
        %shift_right_arithmetic3A_453 = arith.constant 7 : i32
        %shift_right_arithmetic3A_454 = arith.shrsi %squeeze3A_452, %shift_right_arithmetic3A_453 : i32
        %shift_left3A_455 = arith.constant 7 : i32
        %shift_left3A_456 = arith.shli %shift_right_arithmetic3A_454, %shift_left3A_455 : i32
        %multiple_of3A_457 = tpu.assume_multiple %shift_left3A_456, 128 : i32
        %dma_start3A_458 = arith.constant 0 : i32
        %dma_start3A_459 = arith.constant 0 : i32
        %dma_start3A_460 = tpu.memref_slice %arg11[%rem3A_302, %dma_start3A_458, %dma_start3A_459] : memref<6x64x128xf32, #tpu.memory_space<vmem>> -> memref<1x64x128xf32, #tpu.memory_space<vmem>>
        %dma_start3A_461 = tpu.memref_squeeze %dma_start3A_460 : memref<1x64x128xf32, #tpu.memory_space<vmem>> -> memref<64x128xf32, #tpu.memory_space<vmem>>
        %dma_start3A_462 = arith.constant 0 : i32
        %dma_start3A_463 = tpu.memref_slice %arg3[%dma_start3A_462, %multiple_of3A_457] : memref<64x1000000xf32, #tpu.memory_space<hbm>> -> memref<64x128xf32, #tpu.memory_space<hbm>>
        %dma_start3A_464 = tpu.memref_slice %arg15[%rem3A_302] : memref<6x!tpu.dma_semaphore, #tpu.memory_space<semaphore_mem>> -> memref<1x!tpu.dma_semaphore, #tpu.memory_space<semaphore_mem>>
        %dma_start3A_465 = tpu.memref_squeeze %dma_start3A_464 : memref<1x!tpu.dma_semaphore, #tpu.memory_space<semaphore_mem>> -> memref<!tpu.dma_semaphore, #tpu.memory_space<semaphore_mem>>
        %dma_start3A_466 = arith.constant 0 : i32
        %dma_start3A_467 = arith.constant 0 : i32
        %dma_start3A_468 = tpu.memref_slice %arg11[%rem3A_302, %dma_start3A_466, %dma_start3A_467] : memref<6x64x128xf32, #tpu.memory_space<vmem>> -> memref<1x64x128xf32, #tpu.memory_space<vmem>>
        %dma_start3A_469 = tpu.memref_squeeze %dma_start3A_468 : memref<1x64x128xf32, #tpu.memory_space<vmem>> -> memref<64x128xf32, #tpu.memory_space<vmem>>
        %dma_start3A_470 = arith.constant 0 : i32
        %dma_start3A_471 = tpu.memref_slice %arg3[%dma_start3A_470, %multiple_of3A_457] : memref<64x1000000xf32, #tpu.memory_space<hbm>> -> memref<64x128xf32, #tpu.memory_space<hbm>>
        tpu.enqueue_dma source(%dma_start3A_471 : memref<64x128xf32, #tpu.memory_space<hbm>>) target(%dma_start3A_469 : memref<64x128xf32, #tpu.memory_space<vmem>>) target_semaphore(%dma_start3A_465 : memref<!tpu.dma_semaphore, #tpu.memory_space<semaphore_mem>>)
      } else {
      }
    }
    %scan3A_300 = arith.constant 128 : i32
    "tpu.region"() ({
      %run_scoped3A = tpu.sem_alloc : memref<!tpu.dma_semaphore, #tpu.memory_space<semaphore_mem>>
      %dma_start3A_301 = arith.constant 0 : i32
      %dma_start3A_302 = tpu.memref_slice %arg6[%dma_start3A_301, %mul3A_2] : memref<64x4096xf32, #tpu.memory_space<hbm>> -> memref<64x128xf32, #tpu.memory_space<hbm>>
      %dma_start3A_303 = arith.constant 0 : i32
      %dma_start3A_304 = tpu.memref_slice %arg6[%dma_start3A_303, %mul3A_2] : memref<64x4096xf32, #tpu.memory_space<hbm>> -> memref<64x128xf32, #tpu.memory_space<hbm>>
      tpu.enqueue_dma source(%arg12 : memref<64x128xf32, #tpu.memory_space<vmem>>) target(%dma_start3A_304 : memref<64x128xf32, #tpu.memory_space<hbm>>) target_semaphore(%run_scoped3A : memref<!tpu.dma_semaphore, #tpu.memory_space<semaphore_mem>>)
      %dma_wait3A = arith.constant 0 : i32
      %dma_wait3A_305 = tpu.memref_slice %arg6[%dma_wait3A, %mul3A_2] : memref<64x4096xf32, #tpu.memory_space<hbm>> -> memref<64x128xf32, #tpu.memory_space<hbm>>
      %dma_wait3A_306 = arith.constant 0 : i32
      %dma_wait3A_307 = tpu.memref_slice %arg6[%dma_wait3A_306, %mul3A_2] : memref<64x4096xf32, #tpu.memory_space<hbm>> -> memref<64x128xf32, #tpu.memory_space<hbm>>
      tpu.wait_dma2 semaphore(%run_scoped3A : memref<!tpu.dma_semaphore, #tpu.memory_space<semaphore_mem>>) src(%arg12 : memref<64x128xf32, #tpu.memory_space<vmem>>) dst(%dma_wait3A_307 : memref<64x128xf32, #tpu.memory_space<hbm>>)
      tpu.yield
    }) : () -> ()
    "tpu.region"() ({
      %run_scoped3A = tpu.sem_alloc : memref<!tpu.dma_semaphore, #tpu.memory_space<semaphore_mem>>
      %dma_start3A_301 = arith.constant 0 : i32
      %dma_start3A_302 = tpu.memref_slice %arg7[%dma_start3A_301, %mul3A_2] : memref<64x4096xf32, #tpu.memory_space<hbm>> -> memref<64x128xf32, #tpu.memory_space<hbm>>
      %dma_start3A_303 = arith.constant 0 : i32
      %dma_start3A_304 = tpu.memref_slice %arg7[%dma_start3A_303, %mul3A_2] : memref<64x4096xf32, #tpu.memory_space<hbm>> -> memref<64x128xf32, #tpu.memory_space<hbm>>
      tpu.enqueue_dma source(%arg13 : memref<64x128xf32, #tpu.memory_space<vmem>>) target(%dma_start3A_304 : memref<64x128xf32, #tpu.memory_space<hbm>>) target_semaphore(%run_scoped3A : memref<!tpu.dma_semaphore, #tpu.memory_space<semaphore_mem>>)
      %dma_wait3A = arith.constant 0 : i32
      %dma_wait3A_305 = tpu.memref_slice %arg7[%dma_wait3A, %mul3A_2] : memref<64x4096xf32, #tpu.memory_space<hbm>> -> memref<64x128xf32, #tpu.memory_space<hbm>>
      %dma_wait3A_306 = arith.constant 0 : i32
      %dma_wait3A_307 = tpu.memref_slice %arg7[%dma_wait3A_306, %mul3A_2] : memref<64x4096xf32, #tpu.memory_space<hbm>> -> memref<64x128xf32, #tpu.memory_space<hbm>>
      tpu.wait_dma2 semaphore(%run_scoped3A : memref<!tpu.dma_semaphore, #tpu.memory_space<semaphore_mem>>) src(%arg13 : memref<64x128xf32, #tpu.memory_space<vmem>>) dst(%dma_wait3A_307 : memref<64x128xf32, #tpu.memory_space<hbm>>)
      tpu.yield
    }) : () -> ()
    return
  }
}

module attributes {stable_mosaic.version = 14 : i64} {
  func.func @_mm_body(%arg0: i32, %arg1: memref<64x4096xf32, #tpu.memory_space<vmem>>, %arg2: memref<64x512xf32, #tpu.memory_space<vmem>>, %arg3: memref<4096x512xf32, #tpu.memory_space<vmem>>, %arg4: memref<64x4096xbf16, #tpu.memory_space<vmem>>) attributes {dimension_semantics = [#tpu.dimension_semantics<arbitrary>], iteration_bounds = array<i64: 8>, scalar_prefetch = 0 : i64, scratch_operands = 1 : i64, tpu.core_type = #tpu.core_type<tc>, window_params = [{pipeline_mode = #tpu.pipeline_mode<synchronous>, transform_indices = @transform_0, window_bounds = array<i64: 64, 4096>}, {transform_indices = @transform_1, window_bounds = array<i64: 64, 512>}, {transform_indices = @transform_2, window_bounds = array<i64: 4096, 512>}]} {
    %eq3A = arith.constant 0 : i32
    %eq3A_0 = arith.cmpi eq, %arg0, %eq3A : i32
    %convert_element_type3A = arith.extui %eq3A_0 : i1 to i32
    %cond3A = arith.constant 0 : i32
    %cond3A_1 = arith.cmpi ne, %convert_element_type3A, %cond3A : i32
    scf.if %cond3A_1 {
      %get3A_15 = arith.constant 0 : index
      %get3A_16 = arith.constant 0 : index
      %get3A_17 = vector.load %arg1[%get3A_15, %get3A_16] : memref<64x4096xf32, #tpu.memory_space<vmem>>, vector<64x4096xf32>
      %mul3A_18 = arith.mulf %get3A_17, %get3A_17 : vector<64x4096xf32>
      %reduce_sum3A_19 = arith.constant dense<0.000000e+00> : vector<4096xf32>
      %reduce_sum3A_20 = vector.multi_reduction <add>, %mul3A_18, %reduce_sum3A_19 [0] : vector<64x4096xf32> to vector<4096xf32>
      %broadcast_in_dim3A_21 = vector.shape_cast %reduce_sum3A_20 : vector<4096xf32> to vector<1x4096xf32>
      %sqrt3A_22 = math.sqrt %broadcast_in_dim3A_21 : vector<1x4096xf32>
      %max3A_23 = arith.constant 9.99999996E-13 : f32
      %max3A_24 = vector.broadcast %max3A_23 : f32 to vector<1x4096xf32>
      %max3A_25 = arith.maximumf %sqrt3A_22, %max3A_24 : vector<1x4096xf32>
      %div3A_26 = vector.broadcast %max3A_25 : vector<1x4096xf32> to vector<64x4096xf32>
      %div3A_27 = arith.divf %get3A_17, %div3A_26 : vector<64x4096xf32>
      %convert_element_type3A_28 = arith.truncf %div3A_27 : vector<64x4096xf32> to vector<64x4096xbf16>
      %swap3A_29 = arith.constant 0 : index
      %swap3A_30 = arith.constant 0 : index
      %swap3A_31 = vector.load %arg4[%swap3A_29, %swap3A_30] : memref<64x4096xbf16, #tpu.memory_space<vmem>>, vector<64x4096xbf16>
      tpu.vector_store %arg4[%swap3A_29, %swap3A_30], %convert_element_type3A_28 {strides = array<i32>} : memref<64x4096xbf16, #tpu.memory_space<vmem>>, vector<64x4096xbf16>,
    } else {
    }
    %get3A = arith.constant 0 : index
    %get3A_2 = arith.constant 0 : index
    %get3A_3 = vector.load %arg2[%get3A, %get3A_2] : memref<64x512xf32, #tpu.memory_space<vmem>>, vector<64x512xf32>
    %mul3A = arith.mulf %get3A_3, %get3A_3 : vector<64x512xf32>
    %reduce_sum3A = arith.constant dense<0.000000e+00> : vector<512xf32>
    %reduce_sum3A_4 = vector.multi_reduction <add>, %mul3A, %reduce_sum3A [0] : vector<64x512xf32> to vector<512xf32>
    %broadcast_in_dim3A = vector.shape_cast %reduce_sum3A_4 : vector<512xf32> to vector<1x512xf32>
    %sqrt3A = math.sqrt %broadcast_in_dim3A : vector<1x512xf32>
    %max3A = arith.constant 9.99999996E-13 : f32
    %max3A_5 = vector.broadcast %max3A : f32 to vector<1x512xf32>
    %max3A_6 = arith.maximumf %sqrt3A, %max3A_5 : vector<1x512xf32>
    %div3A = vector.broadcast %max3A_6 : vector<1x512xf32> to vector<64x512xf32>
    %div3A_7 = arith.divf %get3A_3, %div3A : vector<64x512xf32>
    %convert_element_type3A_8 = arith.truncf %div3A_7 : vector<64x512xf32> to vector<64x512xbf16>
    %get3A_9 = arith.constant 0 : index
    %get3A_10 = arith.constant 0 : index
    %get3A_11 = vector.load %arg4[%get3A_9, %get3A_10] : memref<64x4096xbf16, #tpu.memory_space<vmem>>, vector<64x4096xbf16>
    %dot_general3A = arith.constant dense<0.000000e+00> : vector<4096x512xf32>
    %dot_general3A_12 = tpu.matmul %get3A_11, %convert_element_type3A_8, %dot_general3A {dimension_numbers = #tpu.dot_dimension_numbers<[0], [0], [1], [1], [0, 1, 1, 1], [], []>, transpose_lhs_hint = true} : vector<64x4096xbf16>, vector<64x512xbf16>, vector<4096x512xf32> -> vector<4096x512xf32>
    %swap3A = arith.constant 0 : index
    %swap3A_13 = arith.constant 0 : index
    %swap3A_14 = vector.load %arg3[%swap3A, %swap3A_13] : memref<4096x512xf32, #tpu.memory_space<vmem>>, vector<4096x512xf32>
    tpu.vector_store %arg3[%swap3A, %swap3A_13], %dot_general3A_12 {strides = array<i32>} : memref<4096x512xf32, #tpu.memory_space<vmem>>, vector<4096x512xf32>,
    return
  }
  func.func @transform_0(%arg0: i32) -> (i32, i32) {
    %c0_i32 = arith.constant 0 : i32
    %c0_i32_0 = arith.constant 0 : i32
    %c0_i32_1 = arith.constant 0 : i32
    return %c0_i32, %c0_i32_0 : i32, i32
  }
  func.func @transform_1(%arg0: i32) -> (i32, i32) {
    %c0_i32 = arith.constant 0 : i32
    %c0_i32_0 = arith.constant 0 : i32
    return %c0_i32, %arg0 : i32, i32
  }
  func.func @transform_2(%arg0: i32) -> (i32, i32) {
    %c0_i32 = arith.constant 0 : i32
    %c0_i32_0 = arith.constant 0 : i32
    return %c0_i32, %arg0 : i32, i32
  }
}

</mosaic_0001>

<sc_bundles>
// kernel: kernel.4.cloned.1.call-start
scs
__scs_entry_jumppad:
0x0: {  	(pc) =	sbr.rel $0x88, $3  }
0x1: {  	(tag) =	ssettag $0x0;
	lr =	simm.s32 $0x1  }
0x2: {  	[smem:$0x3F9D] =	sst lr;
	_ =	strace $0xD0000000  }
0x3: {  	_ = 	snop  }
0x4: {  	_ = 	snop  }
0x5: {  	_ = 	snop  }
0x6: {  	_ = 	snop  }
0x7: {  	_ = 	snop  }
__scs_overlays_trampoline_lowered:
0x8: {  	[smem:$0x3FAC] =	sst s0  }
0x9: {  	[smem:$0x3FAD] =	sst s1  }
0xa: {  	[smem:$0x3FAE] =	sst s2  }
0xb: {  	[smem:$0x3FAF] =	sst s3  }
0xc: {  	[smem:$0x3FB0] =	sst s4  }
0xd: {  	[smem:$0x3FB1] =	sst s5  }
0xe: {  	[smem:$0x3FB2] =	sst s6  }
0xf: {  	[smem:$0x3FB3] =	sst s7  }
0x10: {  	[smem:$0x3FB4] =	sst s8  }
0x11: {  	[smem:$0x3FB5] =	sst s9;
	s0 =	simm.s32 @!p0 $0x0  }
0x12: {  	s1 =	sld [smem:$0x3F9B];
	s0 =	simm.s32 @p0 $0x1  }
0x13: {  	[smem:$0x3FB6] =	sst s0;
	s0 =	simm.s32 @!p1 $0x0  }
0x14: {  	s2 =	sld [smem:$0x3F9A];
	s0 =	simm.s32 @p1 $0x1  }
0x15: {  	[smem:$0x3FB7] =	sst s0;
	s0 =	simm.s32 @!p2 $0x0  }
0x16: {  	s3 =	sld [smem:$0x3FDB];
	s0 =	simm.s32 @p2 $0x1  }
0x17: {  	s4 =	simm.s32 $0x1BF5;
	[smem:$0x3FB9] =	sst s0  }
0x18: {  	s0 =	sld [smem:$0x3F9C];
	_ =	swait.ge [sflag:s4], $0x0  }
0x19: {  	s7 =	sld [smem:$0x3F9D]  }
0x1a: {  	s8 =	sadd.s32 $0xFFFFE003, lr  }
0x1b: {  	s9 =	sadd.s32 $0xFFFFFEF7, lr;
	s5 =	simm.s32 $0xFFFFFFFF;
	p2 =	slt.u32 s8, $0xFFFFF086  }
0x1c: {  	p1 =	slt.u32 s9, $0xF7A;
	s5 =	simm.s32 @!p2 $0x0  }
0x1d: {  	s5 =	simm.s32 @p1 $0x1;
	p0 =	seq.s32 s7, s2  }
0x1e: {  	s7 =	smul.u32 @!p0 $0xF7A, s2;
	p2 =	seq.s32 @!p0 s5, $0x0  }
0x1f: {  	s9 =	smul.u32 $0xF7A, s1;
	s8 =	simm.s32 @!p0 $0x1BF5;
	p2 =	por !p2, p0  }
0x20: {  	[sflag:s8] =	ssyncset.s32 @!p0 $0xFFFFF086;
	s6 =	sadd.s32 @!p0 s3, s7;
	s7 =	simm.s32 @!p0 $0x108  }
0x21: {  	s3 =	sadd.s32 s3, s9;
	s6 =	sadd.s32 @!p0 $0x88, s6;
	s7 =	simm.s32 @p2 $0x1082  }
0x22: {  	[simem:s7], [sflag:s8] =	dma.local @!p0 [hbm:s6], $0xF7A  }
0x23: {  	s9 =	sor.u32 $0xD0000000, s2;
	s6 =	simm.s32 $0x108;
	_ =	swait.ge @!p0 [sflag:s8], $0x0  }
0x24: {  	s3 =	sadd.s32 $0x88, s3;
	s6 =	simm.s32 @!p1 $0x1082;
	[sflag:s4] =	ssyncset.s32 $0xFFFFF086  }
0x25: {  	[simem:s6], [sflag:s4] =	dma.local [hbm:s3], $0xF7A  }
0x26: {  	[smem:$0x3F9D] =	sst s1;
	(tag) =	ssettag s2;
	_ =	strace s9  }
0x27: {  	s1 =	sld [smem:$0x3FAD]  }
0x28: {  	s2 =	sld [smem:$0x3FAE]  }
0x29: {  	s4 =	sld [smem:$0x3FB0]  }
0x2a: {  	p0 =	seq.s32 s5, $0x0;
	s5 =	sld [smem:$0x3FB1]  }
0x2b: {  	s6 =	sld [smem:$0x3FB2]  }
0x2c: {  	s7 =	sld [smem:$0x3FB3]  }
0x2d: {  	s3 =	simm.s32 $0x108;
	s8 =	sld [smem:$0x3FB4]  }
0x2e: {  	s3 =	simm.s32 @!p0 $0x1082;
	s9 =	sld [smem:$0x3FB5]  }
0x2f: {  	lr =	sadd.s32 s0, s3;
	s0 =	sld [smem:$0x3FAC]  }
0x30: {  	s3 =	sld [smem:$0x3FAF]  }
0x31: {  	[smem:$0x3FB8] =	sst s10  }
0x32: {  	s10 =	sld [smem:$0x3FB6];
	_ =	sdelay $0x3  }
0x33: {  	p0 =	seq.s32 s10, $0x1;
	s10 =	sld [smem:$0x3FB8];
	_ =	sdelay $0x3  }
0x34: {  	[smem:$0x3FB8] =	sst s10  }
0x35: {  	s10 =	sld [smem:$0x3FB7];
	_ =	sdelay $0x3  }
0x36: {  	p1 =	seq.s32 s10, $0x1;
	s10 =	sld [smem:$0x3FB8];
	_ =	sdelay $0x3  }
0x37: {  	[smem:$0x3FB8] =	sst s10  }
0x38: {  	s10 =	sld [smem:$0x3FB9]  }
0x39: {  	_ = 	snop;
	(pc) =	sbr.ind lr, $3  }
0x3a: {  	_ = 	snop  }
0x3b: {  	_ = 	snop  }
0x3c: {  	p2 =	seq.s32 s10, $0x1;
	s10 =	sld [smem:$0x3FB8]  }
0x3d: {  	_ =	shalt  }
0x3e: {  	_ =	shalt  }
0x3f: {  	_ =	shalt  }
0x40: {  	_ =	shalt  }
0x41: {  	_ =	shalt  }
0x42: {  	_ =	shalt  }
0x43: {  	_ =	shalt  }
0x44: {  	_ =	shalt  }
0x45: {  	_ =	shalt  }
0x46: {  	_ =	shalt  }
0x47: {  	_ =	shalt  }
0x48: {  	_ =	shalt  }
0x49: {  	_ =	shalt  }
0x4a: {  	_ =	shalt  }
0x4b: {  	_ =	shalt  }
0x4c: {  	_ =	shalt  }
0x4d: {  	_ =	shalt  }
0x4e: {  	_ =	shalt  }
0x4f: {  	_ =	shalt  }
0x50: {  	_ =	shalt  }
0x51: {  	_ =	shalt  }
0x52: {  	_ =	shalt  }
0x53: {  	_ =	shalt  }
0x54: {  	_ =	shalt  }
0x55: {  	_ =	shalt  }
0x56: {  	_ =	shalt  }
0x57: {  	_ =	shalt  }
0x58: {  	_ =	shalt  }
0x59: {  	_ =	shalt  }
0x5a: {  	_ =	shalt  }
0x5b: {  	_ =	shalt  }
0x5c: {  	_ =	shalt  }
0x5d: {  	_ =	shalt  }
0x5e: {  	_ =	shalt  }
0x5f: {  	_ =	shalt  }
0x60: {  	_ =	shalt  }
0x61: {  	_ =	shalt  }
0x62: {  	_ =	shalt  }
0x63: {  	_ =	shalt  }
0x64: {  	_ =	shalt  }
0x65: {  	_ =	shalt  }
0x66: {  	_ =	shalt  }
0x67: {  	_ =	shalt  }
0x68: {  	_ =	shalt  }
0x69: {  	_ =	shalt  }
0x6a: {  	_ =	shalt  }
0x6b: {  	_ =	shalt  }
0x6c: {  	_ =	shalt  }
0x6d: {  	_ =	shalt  }
0x6e: {  	_ =	shalt  }
0x6f: {  	_ =	shalt  }
0x70: {  	_ =	shalt  }
0x71: {  	_ =	shalt  }
0x72: {  	_ =	shalt  }
0x73: {  	_ =	shalt  }
0x74: {  	_ =	shalt  }
0x75: {  	_ =	shalt  }
0x76: {  	_ =	shalt  }
0x77: {  	_ =	shalt  }
0x78: {  	_ =	shalt  }
0x79: {  	_ =	shalt  }
0x7a: {  	_ =	shalt  }
0x7b: {  	_ =	shalt  }
0x7c: {  	_ =	shalt  }
0x7d: {  	_ =	shalt  }
0x7e: {  	_ =	shalt  }
0x7f: {  	_ =	shalt  }
0x80: {  	_ =	shalt  }
0x81: {  	_ =	shalt  }
0x82: {  	_ =	shalt  }
0x83: {  	_ =	shalt  }
0x84: {  	_ =	shalt  }
0x85: {  	_ =	shalt  }
0x86: {  	_ =	shalt  }
0x87: {  	_ =	shalt  }
.Lfunc_end0:
.L_simem_size_0:
called_computation_lowered:
.L_overlay_start_0:
0x88: {  	s2 =	sld [smem:$0x3FD9]  }
0x89: {  	s3 =	sld [smem:$0x3FFE];
	_ =	sdelay $0x1  }
0x8a: {  	s1 =	srdreg.scid  }
0x8b: {  	s0 =	sand.u32 $0x1, s1  }
0x8c: {  	s17 =	sshll.u32 s0, $0xA;
	s2 =	sadd.s32 s3, s2  }
0x8d: {  	s2 =	sadd.s32 s2, s17  }
0x8e: {  	[smem:$0x3FC4] =	sst s2  }
0x8f: {  	_ = 	snop  }
0x90: {  	s2 =	sld [smem:$0x3FC9]  }
0x91: {  	s18 =	sld [smem:$0x3FC8]  }
0x92: {  	s4 =	sld [smem:$0x3FC7]  }
0x93: {  	s5 =	sld [smem:$0x3FC6]  }
0x94: {  	s6 =	sld [smem:$0x3FD0];
	(tm) =	ssettm $0x1  }
0x95: {  	s7 =	sld [smem:$0x3FFB];
	_ =	sdelay $0x3  }
0x96: {  	_ =	strace s7  }
0x97: {  	s7 =	sld [smem:$0x3FFC];
	_ =	sdelay $0x3  }
0x98: {  	_ =	strace s7  }
0x99: {  	s7 =	sld [smem:$0x3FFD];
	_ =	sdelay $0x3  }
0x9a: {  	_ =	strace s7  }
0x9b: {  	_ =	strace $0x8FFFFFFF  }
0x9c: {  	s19 =	sld [smem:$0x3FDB];
	_ =	sdelay $0x1  }
0x9d: {  	s8 =	simm.s32 $_scs_section_size  }
0x9e: {  	s9 =	simm.s32 $_size__tile_overlayer_lowered;
	s10 =	simm.s32 $_tile_overlayer_lowered  }
0x9f: {  	s22 =	simm.s32 $0x1BFF;
	s21 =	sshll.u32 s10, $0x1;
	s7 =	sadd.s32 s8, s19  }
0xa0: {  	s11 =	simm.s32 $0x0;
	s20 =	sshll.u32 s9, $0x1;
	s9 =	sadd.s32 s21, s7  }
0xa1: {  	[timem:s11], [sflag:s22] =	dma.local [hbm:s9], s20  }
0xa2: {  	_ =	swait.ge [sflag:s22], s20  }
0xa3: {  	s8 =	ssub.s32 $0x0, s20;
	[sflag:s22] =	ssyncset.done $0x0  }
0xa4: {  	[sflag:s22] =	ssyncadd.s32 s8;
	_ =	sdelay $0x1  }
0xa5: {  	s23 =	simm.s32 $0x1B8B  }
0xa6: {  	_ =	swait.ge [sflag:s23], $0x1  }
0xa7: {  	[sflag:s23] =	ssyncset.done $0x0  }
0xa8: {  	s25 =	simm.s32 $0x1B8E;
	s24 =	sld [smem:$0x3FFE];
	[sflag:s23] =	ssyncadd.s32 $0xFFFFFFFF  }
0xa9: {  	s26 =	simm.s32 $execute0_lowered;
	[smem:$0x3FD2] =	sst s25  }
0xaa: {  	s9 =	sshll.u32 s26, $0x1;
	_ =	strace $0x80000046;
	[dreg:$0x1] =	wrdreg $0xFFFFFFFF  }
0xab: {  	s28 =	simm.s32 $_size_execute0_lowered;
	s7 =	sadd.s32 s7, s9;
	[dreg:$0x0] =	wrdreg $0x0  }
0xac: {  	s9 =	sshll.u32 s28, $0x1;
	[dreg:$0x2] =	wrdreg s7  }
0xad: {  	[dreg:$0x3] =	wrdreg s9  }
0xae: {  	[dreg:$0x4] =	wrdreg $0xC0  }
0xaf: {  	_ =	task [dreg:s11], $0x5FFFF  }
0xb0: {  	[dreg:$0x1] =	wrdreg $0xFFFFFFFF  }
0xb1: {  	[dreg:$0x0] =	wrdreg $0x60  }
0xb2: {  	[dreg:$0x2] =	wrdreg s2  }
0xb3: {  	[dreg:$0x3] =	wrdreg s18  }
0xb4: {  	[dreg:$0x4] =	wrdreg s4  }
0xb5: {  	[dreg:$0x5] =	wrdreg s5  }
0xb6: {  	[dreg:$0x6] =	wrdreg s6  }
0xb7: {  	[dreg:$0x7] =	wrdreg s24  }
0xb8: {  	[dreg:$0x8] =	wrdreg $0x9  }
0xb9: {  	_ =	task.clear_ibuf [dreg:s11], $0x9FFFF;
	_ =	strace $0x90000046  }
0xba: {  	s29 =	simm.s32 $0x9;
	_ =	strace $0x80000048  }
0xbb: {  	_ =	swait.ge [sflag:s29], $0x1  }
0xbc: {  	[sflag:s29] =	ssyncadd.s32 $0xFFFFFFFF  }
0xbd: {  	_ =	strace $0x90000048  }
0xbe: {  	_ =	sfence  }
0xbf: {  	s30 =	sld [smem:$0x0];
	_ =	sdelay $0x2  }
0xc0: {  	s31 =	sshll.u32 s1, $0xD;
	s1 =	sshrl.u32 s1, $0x2  }
0xc1: {  	s3 =	sand.u32 $0x4000, s31;
	s1 =	sadd.s32 s1, s30  }
0xc2: {  	s0 =	sor.u32 s3, s0;
	s1 =	sshll.u32 s1, $0x11  }
0xc3: {  	s0 =	sor.u32 s1, s0  }
0xc4: {  	s0 =	sadd.s32 $0x8F2B, s0  }
0xc5: {  	[sflag:s0] =	ssyncadd.remote.s32 $0x1  }
0xc6: {  	_ =	sfence.sel $0xFFFF  }
0xc7: {  	[dreg:$0x0] =	wrdreg $0xFFFFFFFF;
	(pc) =	sbr.abs _section_cstart, $3  }
0xc8: {  	[dreg:$0x1] =	wrdreg $0xFFFFFFFF  }
0xc9: {  	_ =	task.clear_ibuf [dreg:s11], $0x2FFFF;
	_ =	strace $0x9FFFFFFF  }
0xca: {  	(tm) =	ssettm $0x7FFFFFFF  }
0xcb: {  	_ =	shalt  }
tec
execute0_lowered:
.L_overlay_start_1:
0x0: {  	(tag) =	ssettag $0x1  }
0x1: {  	s0 =	rddreg [dreg:$0x0]  }
0x2: {  	s2 =	rddreg [dreg:$0x1]  }
0x3: {  	s1 =	rddreg [dreg:$0x2]  }
0x4: {  	s3 =	rddreg [dreg:$0x3]  }
0x5: {  	s7 =	rddreg [dreg:$0x4]  }
0x6: {  	s5 =	rddreg [dreg:$0x5]  }
0x7: {  	s6 =	srdreg.scid;
	s4 =	simm.s32 $0x0;
	s9 =	stileid.u32  }
0x8: {  	s12 =	simm.s32 $0x400;
	s13 =	simm.s32 $0x7A1400;
	s22 =	simm.s32 $0x8200  }
0x9: {  	s23 =	simm.s32 $0x14200;
	s24 =	simm.s32 $0xA200;
	s25 =	simm.s32 $0x16200  }
0xa: {  	s26 =	simm.s32 $0x18200;
	s28 =	simm.s32 $0x1A200;
	s6 =	sand.u32 $0x1, s6  }
0xb: {  	s29 =	simm.s32 $0x8000;
	s30 =	simm.s32 $0x0;
	s8 =	sshll.u32 s6, $0x4  }
0xc: {  	[smem:$0x7FF] =	sst s4;
	s6 =	ssub.s32 $0x2, s6;
	s8 =	sor.u32 s9, s8  }
0xd: {  	v0 =	vlaneseq.u32;
	_ =	strace $0x80000047;
	s10 =	sshrl.u32 s6, $0x1;
	s9 =	sshll.u32 s8, $0x7  }
0xe: {  	v0 =	vmul.u32 $0x80, v0;
	s8 =	sshll.u32 s8, $0x4;
	s10 =	ssub.s32 s6, s10;
	s11 =	sadd.s32 s9, s5  }
0xf: {  	s5 =	sadd.s32 s1, s8;
	s6 =	sadd.s32 s3, s8;
	s7 =	sadd.s32 s7, s9  }
0x10: {  	v1 =	vor.u32 $0x800, v0;
	v2 =	vor.u32 $0x1000, v0;
	v3 =	vor.u32 $0x1800, v0;
	s9 =	smax.u32 s10, $0x1;
	s10 =	simm.s32 $0xD;
	s8 =	sadd.s32 $0xC00, s11  }
.LBB2_1:
0x11: {  	[tilespmem:s4], [sflag:$0xD] =	stream.linear.gather [hbm4b:s5+s4], $0x80, $0x38;
	[tilespmem:$0x1C200] =	vst v63  }
0x12: {  	_ =	swait.ge [sflag:s10], $0x80  }
0x13: {  	[sflag:s10] =	ssyncset.done $0x0  }
0x14: {  	s1 =	simm.s32 $0x100;
	[sflag:s10] =	ssyncadd.s32 $0xFFFFFF80  }
0x15: {  	[tilespmem:s1], [sflag:$0xD] =	stream.linear.gather [hbm4b:s6+s4], $0x80, $0x38;
	[tilespmem:$0x1C200] =	vst v63  }
0x16: {  	_ =	swait.ge [sflag:s10], $0x80  }
0x17: {  	[sflag:s10] =	ssyncset.done $0x0  }
0x18: {  	[sflag:s10] =	ssyncadd.s32 $0xFFFFFF80  }
0x19: {  	v4 =	vld [tilespmem:$0x0];
	_ =	sdelay $0x4  }
0x1a: {  	(v2sf) =	vpush v4, $0x0;
	_ =	sdelay $0xe  }
0x1b: {  	s21 =	spop (v2sf)  }
0x1c: {  	s1 =	sand.u32 $0xFFFFF80, s21  }
0x1d: {  	s3 =	simm.s32 $0x200;
	s1 =	sadd.s32 s0, s1  }
0x1e: {  	[tilespmem:s3], [sflag:$0x1] =	stream.strided.gather [hbm4b:s1+s12], $0x2000, s13, s12, $0x38;
	[tilespmem:$0x1C200] =	vst v63  }
0x1f: {  	v4 =	vld [tilespmem:$0x100];
	_ =	sdelay $0x4  }
0x20: {  	(v2sf) =	vpush v4, $0x0;
	_ =	sdelay $0xe  }
0x21: {  	s3 =	spop (v2sf)  }
0x22: {  	s1 =	sand.u32 $0xFFFFF80, s3  }
0x23: {  	s11 =	simm.s32 $0xC200;
	s1 =	sadd.s32 s2, s1  }
0x24: {  	[tilespmem:s11], [sflag:$0x7] =	stream.strided.gather [hbm4b:s1+s12], $0x2000, s13, s12, $0x38;
	[tilespmem:$0x1C200] =	vst v63  }
0x25: {  	v4 =	vld [tilespmem:$0x1];
	_ =	sdelay $0x4  }
0x26: {  	(v2sf) =	vpush v4, $0x0;
	_ =	sdelay $0xe  }
0x27: {  	s14 =	spop (v2sf)  }
0x28: {  	s1 =	sand.u32 $0xFFFFF80, s14  }
0x29: {  	s15 =	simm.s32 $0x2200;
	s1 =	sadd.s32 s0, s1  }
0x2a: {  	[tilespmem:s15], [sflag:$0x2] =	stream.strided.gather [hbm4b:s1+s12], $0x2000, s13, s12, $0x38;
	[tilespmem:$0x1C200] =	vst v63  }
0x2b: {  	v4 =	vld [tilespmem:$0x101];
	_ =	sdelay $0x4  }
0x2c: {  	(v2sf) =	vpush v4, $0x0;
	_ =	sdelay $0xe  }
0x2d: {  	s16 =	spop (v2sf)  }
0x2e: {  	s1 =	sand.u32 $0xFFFFF80, s16  }
0x2f: {  	s17 =	simm.s32 $0xE200;
	s1 =	sadd.s32 s2, s1  }
0x30: {  	[tilespmem:s17], [sflag:$0x8] =	stream.strided.gather [hbm4b:s1+s12], $0x2000, s13, s12, $0x38;
	[tilespmem:$0x1C200] =	vst v63  }
0x31: {  	v4 =	vld [tilespmem:$0x2];
	_ =	sdelay $0x4  }
0x32: {  	(v2sf) =	vpush v4, $0x0;
	_ =	sdelay $0xe  }
0x33: {  	s18 =	spop (v2sf)  }
0x34: {  	s1 =	sand.u32 $0xFFFFF80, s18  }
0x35: {  	s19 =	simm.s32 $0x4200;
	s1 =	sadd.s32 s0, s1  }
0x36: {  	[tilespmem:s19], [sflag:$0x3] =	stream.strided.gather [hbm4b:s1+s12], $0x2000, s13, s12, $0x38;
	[tilespmem:$0x1C200] =	vst v63  }
0x37: {  	v4 =	vld [tilespmem:$0x102];
	_ =	sdelay $0x4  }
0x38: {  	(v2sf) =	vpush v4, $0x0;
	_ =	sdelay $0xe  }
0x39: {  	s20 =	spop (v2sf)  }
0x3a: {  	s1 =	sand.u32 $0xFFFFF80, s20  }
0x3b: {  	s21 =	simm.s32 $0x10200;
	s1 =	sadd.s32 s2, s1  }
0x3c: {  	[tilespmem:s21], [sflag:$0x9] =	stream.strided.gather [hbm4b:s1+s12], $0x2000, s13, s12, $0x38;
	[tilespmem:$0x1C200] =	vst v63  }
0x3d: {  	v4 =	vld [tilespmem:$0x3];
	_ =	sdelay $0x4  }
0x3e: {  	(v2sf) =	vpush v4, $0x0;
	_ =	sdelay $0xe  }
0x3f: {  	s3 =	spop (v2sf)  }
0x40: {  	s1 =	sand.u32 $0xFFFFF80, s3  }
0x41: {  	s11 =	simm.s32 $0x6200;
	s1 =	sadd.s32 s0, s1  }
0x42: {  	[tilespmem:s11], [sflag:$0x4] =	stream.strided.gather [hbm4b:s1+s12], $0x2000, s13, s12, $0x38;
	[tilespmem:$0x1C200] =	vst v63  }
0x43: {  	v4 =	vld [tilespmem:$0x103];
	_ =	sdelay $0x4  }
0x44: {  	(v2sf) =	vpush v4, $0x0;
	_ =	sdelay $0xe  }
0x45: {  	s14 =	spop (v2sf)  }
0x46: {  	s1 =	sand.u32 $0xFFFFF80, s14  }
0x47: {  	s15 =	simm.s32 $0x12200;
	s1 =	sadd.s32 s2, s1  }
0x48: {  	[tilespmem:s15], [sflag:$0xA] =	stream.strided.gather [hbm4b:s1+s12], $0x2000, s13, s12, $0x38;
	[tilespmem:$0x1C200] =	vst v63  }
0x49: {  	v4 =	vld [tilespmem:$0x4];
	_ =	sdelay $0x4  }
0x4a: {  	(v2sf) =	vpush v4, $0x0;
	_ =	sdelay $0xe  }
0x4b: {  	s16 =	spop (v2sf)  }
0x4c: {  	s1 =	sand.u32 $0xFFFFF80, s16  }
0x4d: {  	s1 =	sadd.s32 s0, s1  }
0x4e: {  	[tilespmem:s22], [sflag:$0x5] =	stream.strided.gather [hbm4b:s1+s12], $0x2000, s13, s12, $0x38;
	[tilespmem:$0x1C200] =	vst v63  }
0x4f: {  	v4 =	vld [tilespmem:$0x104];
	_ =	sdelay $0x4  }
0x50: {  	(v2sf) =	vpush v4, $0x0;
	_ =	sdelay $0xe  }
0x51: {  	s17 =	spop (v2sf)  }
0x52: {  	s1 =	sand.u32 $0xFFFFF80, s17  }
0x53: {  	s1 =	sadd.s32 s2, s1  }
0x54: {  	[tilespmem:s23], [sflag:$0xB] =	stream.strided.gather [hbm4b:s1+s12], $0x2000, s13, s12, $0x38;
	[tilespmem:$0x1C200] =	vst v63  }
0x55: {  	v4 =	vld [tilespmem:$0x5];
	_ =	sdelay $0x4  }
0x56: {  	(v2sf) =	vpush v4, $0x0;
	_ =	sdelay $0xe  }
0x57: {  	s18 =	spop (v2sf)  }
0x58: {  	s1 =	sand.u32 $0xFFFFF80, s18  }
0x59: {  	s1 =	sadd.s32 s0, s1  }
0x5a: {  	[tilespmem:s24], [sflag:$0x6] =	stream.strided.gather [hbm4b:s1+s12], $0x2000, s13, s12, $0x38;
	[tilespmem:$0x1C200] =	vst v63  }
0x5b: {  	v4 =	vld [tilespmem:$0x105];
	_ =	sdelay $0x4  }
0x5c: {  	(v2sf) =	vpush v4, $0x0;
	_ =	sdelay $0x9  }
0x5d: {  	s19 =	smul.u32 $0xAB, s4;
	_ =	sdelay $0x1  }
0x5e: {  	s1 =	sshrl.u32 s19, $0xA  }
0x5f: {  	s1 =	sand.u32 $0x3F, s1  }
0x60: {  	s1 =	smul.u32 $0x6, s1  }
0x61: {  	s20 =	spop (v2sf)  }
0x62: {  	s1 =	ssub.s32 $0x0, s1;
	s3 =	sand.u32 $0xFFFFF80, s20  }
0x63: {  	s1 =	sand.u32 $0xFF, s1;
	s3 =	sadd.s32 s2, s3  }
0x64: {  	[tilespmem:s25], [sflag:$0xC] =	stream.strided.gather [hbm4b:s3+s12], $0x2000, s13, s12, $0x38;
	[tilespmem:$0x1C200] =	vst v63  }
0x65: {  	s3 =	sadd.s32 $0x1, s1  }
0x66: {  	_ =	swait.ge [sflag:s3], $0x2000  }
0x67: {  	[sflag:s3] =	ssyncset.done $0x0  }
0x68: {  	s11 =	simm.s32 $0x6;
	[sflag:s3] =	ssyncadd.s32 $0xFFFFE000  }
0x69: {  	v4 =	vld [tilespmem:s11+$0xFFFFFFFA];
	_ =	sdelay $0x4  }
0x6a: {  	(v2sf) =	vpush v4, $0x0;
	_ =	sdelay $0xe  }
0x6b: {  	s14 =	spop (v2sf)  }
0x6c: {  	s14 =	sand.u32 $0x7F, s14  }
0x6d: {  	v4 =	vor.u32 s14, v0  }
0x6e: {  	v5 =	vmov s4  }
0x6f: {  	v5 =	vand.u32 $0x7F, v5  }
0x70: {  	v5 =	vbroadcast v5, $0x0;
	s16 =	sshll.u32 s1, $0xD  }
0x71: {  	s17 =	sor.u32 $0x200, s16  }
0x72: {  	v6 =	vor.u32 v0, v5;
	v4 =	vld.idx.msk [tilespmem:v4+s17+$0x0], $0xffff  }
0x73: {  	v7 =	vor.u32 s14, v1;
	_ =	sdelay $0x3  }
0x74: {  	[tilespmem:v6+s26+$0x0] =	vst.idx.msk $0xffff, v4  }
0x75: {  	v59 =	vor.u32 v1, v5;
	v4 =	vld.idx.msk [tilespmem:v7+s17+$0x0], $0xffff  }
0x76: {  	v8 =	vor.u32 s14, v2;
	_ =	sdelay $0x3  }
0x77: {  	[tilespmem:v59+s26+$0x0] =	vst.idx.msk $0xffff, v4  }
0x78: {  	v60 =	vor.u32 v2, v5;
	v4 =	vld.idx.msk [tilespmem:v8+s17+$0x0], $0xffff  }
0x79: {  	v9 =	vor.u32 s14, v3;
	_ =	sdelay $0x3  }
0x7a: {  	[tilespmem:v60+s26+$0x0] =	vst.idx.msk $0xffff, v4  }
0x7b: {  	v5 =	vor.u32 v3, v5;
	v4 =	vld.idx.msk [tilespmem:v9+s17+$0x0], $0xffff;
	_ =	sdelay $0x4  }
0x7c: {  	s15 =	sadd.s32 $0x7, s1;
	[tilespmem:v5+s26+$0x0] =	vst.idx.msk $0xffff, v4  }
0x7d: {  	_ =	swait.ge [sflag:s15], $0x2000  }
0x7e: {  	[sflag:s15] =	ssyncset.done $0x0  }
0x7f: {  	s1 =	simm.s32 $0x106;
	[sflag:s15] =	ssyncadd.s32 $0xFFFFE000  }
0x80: {  	v4 =	vld [tilespmem:s1+$0xFFFFFFFA];
	_ =	sdelay $0x4  }
0x81: {  	(v2sf) =	vpush v4, $0x0;
	_ =	sdelay $0xe  }
0x82: {  	s21 =	spop (v2sf)  }
0x83: {  	s14 =	sand.u32 $0x7F, s21  }
0x84: {  	v4 =	vor.u32 s14, v0;
	_ =	sdelay $0x4  }
0x85: {  	v4 =	vld.idx.msk [tilespmem:v4+s16+$0xC200], $0xffff  }
0x86: {  	v61 =	vor.u32 s14, v1;
	_ =	sdelay $0x3  }
0x87: {  	[tilespmem:v6+s28+$0x0] =	vst.idx.msk $0xffff, v4  }
0x88: {  	v4 =	vld.idx.msk [tilespmem:v61+s16+$0xC200], $0xffff  }
0x89: {  	v62 =	vor.u32 s14, v2;
	_ =	sdelay $0x3  }
0x8a: {  	[tilespmem:v59+s28+$0x0] =	vst.idx.msk $0xffff, v4  }
0x8b: {  	v4 =	vld.idx.msk [tilespmem:v62+s16+$0xC200], $0xffff  }
0x8c: {  	v63 =	vor.u32 s14, v3;
	_ =	sdelay $0x3  }
0x8d: {  	[tilespmem:v60+s28+$0x0] =	vst.idx.msk $0xffff, v4  }
0x8e: {  	v4 =	vld.idx.msk [tilespmem:v63+s16+$0xC200], $0xffff;
	_ =	sdelay $0x4  }
0x8f: {  	p1 =	por $0x0, $0x0;
	[tilespmem:v5+s28+$0x0] =	vst.idx.msk $0xffff, v4  }
0x90: {  	v4 =	vld @!p1 [tilespmem:s11+$0x0];
	_ =	sdelay $0x4  }
0x91: {  	(v2sf) =	vpush @!p1 v4, $0x0;
	_ =	sdelay $0xe  }
0x92: {  	s11 =	spop @!p1 (v2sf)  }
0x93: {  	s11 =	sand.u32 @!p1 $0xFFFFF80, s11  }
0x94: {  	s20 =	simm.s32 @!p1 $0x400;
	s21 =	simm.s32 @!p1 $0x7A1400;
	s11 =	sadd.s32 @!p1 s0, s11  }
0x95: {  	[tilespmem:s17], [sflag:s3] =	stream.strided.gather @!p1 [hbm4b:s11+s20], $0x2000, s21, s20, $0x38;
	[tilespmem:$0x1C200] =	vst v63  }
0x96: {  	v4 =	vld @!p1 [tilespmem:s1+$0x0];
	_ =	sdelay $0x4  }
0x97: {  	(v2sf) =	vpush @!p1 v4, $0x0;
	_ =	sdelay $0x7  }
0x98: {  	s1 =	simm.s32 $0x1  }
0x99: {  	s18 =	smul.u32 $0xAB, s1;
	_ =	sdelay $0x1  }
0x9a: {  	s3 =	sshrl.u32 s18, $0xA  }
0x9b: {  	s3 =	sand.u32 $0x3F, s3  }
0x9c: {  	s3 =	smul.u32 $0x6, s3  }
0x9d: {  	s31 =	simm.s32 $0x107;
	s16 =	sadd.s32 $0xC200, s16  }
0x9e: {  	s11 =	simm.s32 $0x2;
	s19 =	ssub.s32 $0x1, s3;
	s17 =	spop @!p1 (v2sf)  }
0x9f: {  	s3 =	simm.s32 $0x7;
	s19 =	sand.u32 $0xFF, s19;
	s17 =	sand.u32 @!p1 $0xFFFFF80, s17  }
.LBB2_2:
0xa0: {  	s14 =	sadd.s32 $0x1, s19  }
0xa1: {  	s18 =	sadd.s32 @!p1 s2, s17;
	s17 =	smov.u32 s11;
	s11 =	sadd.s32 $0x1, s11  }
0xa2: {  	[tilespmem:s16], [sflag:s15] =	stream.strided.gather @!p1 [hbm4b:s18+s20], $0x2000, s21, s20, $0x38;
	[tilespmem:$0x1C200] =	vst v63  }
0xa3: {  	p0 =	sne.s32 s11, $0x80;
	_ =	swait.ge [sflag:s14], $0x2000  }
0xa4: {  	[sflag:s14] =	ssyncset.done $0x0  }
0xa5: {  	[sflag:s14] =	ssyncadd.s32 $0xFFFFE000  }
0xa6: {  	v4 =	vld [tilespmem:s3+$0xFFFFFFFA];
	_ =	sdelay $0x4  }
0xa7: {  	(v2sf) =	vpush v4, $0x0;
	_ =	sdelay $0xe  }
0xa8: {  	s15 =	spop (v2sf)  }
0xa9: {  	s15 =	sand.u32 $0x7F, s15  }
0xaa: {  	v4 =	vor.u32 s15, v0;
	_ =	sdelay $0x1  }
0xab: {  	v5 =	vmov s1  }
0xac: {  	s16 =	sshll.u32 s19, $0xD;
	v5 =	vand.u32 $0x7F, v5  }
0xad: {  	s18 =	sor.u32 $0x200, s16;
	v5 =	vbroadcast v5, $0x0  }
0xae: {  	v4 =	vld.idx.msk [tilespmem:v4+s18+$0x0], $0xffff  }
0xaf: {  	v6 =	vor.u32 v0, v5  }
0xb0: {  	v7 =	vor.u32 s15, v1;
	_ =	sdelay $0x3  }
0xb1: {  	[tilespmem:v6+s26+$0x0] =	vst.idx.msk $0xffff, v4  }
0xb2: {  	v4 =	vld.idx.msk [tilespmem:v7+s18+$0x0], $0xffff  }
0xb3: {  	v7 =	vor.u32 v1, v5  }
0xb4: {  	v8 =	vor.u32 s15, v2;
	_ =	sdelay $0x3  }
0xb5: {  	[tilespmem:v7+s26+$0x0] =	vst.idx.msk $0xffff, v4  }
0xb6: {  	v4 =	vld.idx.msk [tilespmem:v8+s18+$0x0], $0xffff  }
0xb7: {  	v8 =	vor.u32 v2, v5  }
0xb8: {  	v9 =	vor.u32 s15, v3;
	_ =	sdelay $0x3  }
0xb9: {  	[tilespmem:v8+s26+$0x0] =	vst.idx.msk $0xffff, v4  }
0xba: {  	v4 =	vld.idx.msk [tilespmem:v9+s18+$0x0], $0xffff  }
0xbb: {  	v5 =	vor.u32 v3, v5;
	_ =	sdelay $0x4  }
0xbc: {  	s15 =	sadd.s32 $0x7, s19;
	[tilespmem:v5+s26+$0x0] =	vst.idx.msk $0xffff, v4  }
0xbd: {  	_ =	swait.ge [sflag:s15], $0x2000  }
0xbe: {  	[sflag:s15] =	ssyncset.done $0x0  }
0xbf: {  	[sflag:s15] =	ssyncadd.s32 $0xFFFFE000  }
0xc0: {  	v4 =	vld [tilespmem:s31+$0xFFFFFFFA];
	_ =	sdelay $0x4  }
0xc1: {  	(v2sf) =	vpush v4, $0x0;
	_ =	sdelay $0xe  }
0xc2: {  	s19 =	spop (v2sf)  }
0xc3: {  	s19 =	sand.u32 $0x7F, s19  }
0xc4: {  	v4 =	vor.u32 s19, v0;
	_ =	sdelay $0x4  }
0xc5: {  	v4 =	vld.idx.msk [tilespmem:v4+s16+$0xC200], $0xffff;
	_ =	sdelay $0x1  }
0xc6: {  	v9 =	vor.u32 s19, v1;
	_ =	sdelay $0x3  }
0xc7: {  	[tilespmem:v6+s28+$0x0] =	vst.idx.msk $0xffff, v4  }
0xc8: {  	v4 =	vld.idx.msk [tilespmem:v9+s16+$0xC200], $0xffff;
	_ =	sdelay $0x1  }
0xc9: {  	v6 =	vor.u32 s19, v2;
	_ =	sdelay $0x3  }
0xca: {  	[tilespmem:v7+s28+$0x0] =	vst.idx.msk $0xffff, v4  }
0xcb: {  	v4 =	vld.idx.msk [tilespmem:v6+s16+$0xC200], $0xffff;
	_ =	sdelay $0x1  }
0xcc: {  	v6 =	vor.u32 s19, v3;
	_ =	sdelay $0x3  }
0xcd: {  	[tilespmem:v8+s28+$0x0] =	vst.idx.msk $0xffff, v4  }
0xce: {  	v4 =	vld.idx.msk [tilespmem:v6+s16+$0xC200], $0xffff;
	_ =	sdelay $0x5  }
0xcf: {  	p1 =	sgt.u32 s1, $0x79;
	s1 =	smov.u32 s17;
	[tilespmem:v5+s28+$0x0] =	vst.idx.msk $0xffff, v4  }
0xd0: {  	v4 =	vld @!p1 [tilespmem:s3+$0x0];
	_ =	sdelay $0x4  }
0xd1: {  	(v2sf) =	vpush @!p1 v4, $0x0;
	_ =	sdelay $0xe  }
0xd2: {  	s17 =	spop @!p1 (v2sf)  }
0xd3: {  	s17 =	sand.u32 @!p1 $0xFFFFF80, s17  }
0xd4: {  	s20 =	simm.s32 @!p1 $0x400;
	s21 =	simm.s32 @!p1 $0x7A1400;
	s17 =	sadd.s32 @!p1 s0, s17  }
0xd5: {  	[tilespmem:s18], [sflag:s14] =	stream.strided.gather @!p1 [hbm4b:s17+s20], $0x2000, s21, s20, $0x38;
	[tilespmem:$0x1C200] =	vst v63  }
0xd6: {  	v4 =	vld @!p1 [tilespmem:s31+$0x0];
	_ =	sdelay $0x4  }
0xd7: {  	(v2sf) =	vpush @!p1 v4, $0x0;
	_ =	sdelay $0x8  }
0xd8: {  	s14 =	smul.u32 $0xAB, s1;
	_ =	sdelay $0x1  }
0xd9: {  	s14 =	sshrl.u32 s14, $0xA  }
.Ltmp0:
0xda: {  	s14 =	sand.u32 $0x3F, s14;
	(pc) =	sbr.rel @p0 .LBB2_2-.Ltmp0, $4  }
0xdb: {  	s14 =	smul.u32 $0x6, s14  }
0xdc: {  	s31 =	sadd.s32 $0x1, s31  }
0xdd: {  	s3 =	sadd.s32 $0x1, s3;
	s14 =	ssub.s32 s1, s14;
	s17 =	spop @!p1 (v2sf)  }
0xde: {  	s16 =	sadd.s32 $0xC200, s16;
	s19 =	sand.u32 $0xFF, s14;
	s17 =	sand.u32 @!p1 $0xFFFFF80, s17  }
0xdf: {  	s11 =	sadd.s32 $0x1, s19;
	s14 =	sadd.s32 @!p1 s2, s17  }
0xe0: {  	[tilespmem:s16], [sflag:s15] =	stream.strided.gather @!p1 [hbm4b:s14+s20], $0x2000, s21, s20, $0x38;
	[tilespmem:$0x1C200] =	vst v63  }
0xe1: {  	_ =	swait.ge [sflag:s11], $0x2000  }
0xe2: {  	[sflag:s11] =	ssyncset.done $0x0  }
0xe3: {  	[sflag:s11] =	ssyncadd.s32 $0xFFFFE000  }
0xe4: {  	v4 =	vld [tilespmem:s3+$0xFFFFFFFA];
	_ =	sdelay $0x4  }
0xe5: {  	(v2sf) =	vpush v4, $0x0;
	_ =	sdelay $0xe  }
0xe6: {  	s18 =	spop (v2sf)  }
0xe7: {  	s14 =	sand.u32 $0x7F, s18  }
0xe8: {  	v4 =	vor.u32 s14, v0  }
0xe9: {  	v5 =	vmov s1  }
0xea: {  	v5 =	vand.u32 $0x7F, v5  }
0xeb: {  	s20 =	sshll.u32 s19, $0xD;
	v5 =	vbroadcast v5, $0x0  }
0xec: {  	s16 =	sor.u32 $0x200, s20  }
0xed: {  	v6 =	vor.u32 v0, v5;
	v4 =	vld.idx.msk [tilespmem:v4+s16+$0x0], $0xffff  }
0xee: {  	v7 =	vor.u32 s14, v1;
	_ =	sdelay $0x3  }
0xef: {  	[tilespmem:v6+s26+$0x0] =	vst.idx.msk $0xffff, v4  }
0xf0: {  	v59 =	vor.u32 v1, v5;
	v4 =	vld.idx.msk [tilespmem:v7+s16+$0x0], $0xffff  }
0xf1: {  	v8 =	vor.u32 s14, v2;
	_ =	sdelay $0x3  }
0xf2: {  	[tilespmem:v59+s26+$0x0] =	vst.idx.msk $0xffff, v4  }
0xf3: {  	v60 =	vor.u32 v2, v5;
	v4 =	vld.idx.msk [tilespmem:v8+s16+$0x0], $0xffff  }
0xf4: {  	v9 =	vor.u32 s14, v3;
	_ =	sdelay $0x3  }
0xf5: {  	[tilespmem:v60+s26+$0x0] =	vst.idx.msk $0xffff, v4  }
0xf6: {  	v5 =	vor.u32 v3, v5;
	v4 =	vld.idx.msk [tilespmem:v9+s16+$0x0], $0xffff;
	_ =	sdelay $0x4  }
0xf7: {  	s14 =	sadd.s32 $0x7, s19;
	[tilespmem:v5+s26+$0x0] =	vst.idx.msk $0xffff, v4  }
0xf8: {  	_ =	swait.ge [sflag:s14], $0x2000  }
0xf9: {  	[sflag:s14] =	ssyncset.done $0x0  }
0xfa: {  	[sflag:s14] =	ssyncadd.s32 $0xFFFFE000  }
0xfb: {  	v4 =	vld [tilespmem:s31+$0xFFFFFFFA];
	_ =	sdelay $0x4  }
0xfc: {  	(v2sf) =	vpush v4, $0x0;
	_ =	sdelay $0xe  }
0xfd: {  	s21 =	spop (v2sf)  }
0xfe: {  	s17 =	sand.u32 $0x7F, s21  }
0xff: {  	v4 =	vor.u32 s17, v0;
	_ =	sdelay $0x4  }
0x100: {  	v4 =	vld.idx.msk [tilespmem:v4+s20+$0xC200], $0xffff  }
0x101: {  	v61 =	vor.u32 s17, v1;
	_ =	sdelay $0x3  }
0x102: {  	[tilespmem:v6+s28+$0x0] =	vst.idx.msk $0xffff, v4  }
0x103: {  	v4 =	vld.idx.msk [tilespmem:v61+s20+$0xC200], $0xffff  }
0x104: {  	v62 =	vor.u32 s17, v2;
	_ =	sdelay $0x3  }
0x105: {  	[tilespmem:v59+s28+$0x0] =	vst.idx.msk $0xffff, v4  }
0x106: {  	v4 =	vld.idx.msk [tilespmem:v62+s20+$0xC200], $0xffff  }
0x107: {  	v63 =	vor.u32 s17, v3;
	_ =	sdelay $0x3  }
0x108: {  	[tilespmem:v60+s28+$0x0] =	vst.idx.msk $0xffff, v4  }
0x109: {  	v4 =	vld.idx.msk [tilespmem:v63+s20+$0xC200], $0xffff;
	_ =	sdelay $0x4  }
0x10a: {  	p0 =	sgt.u32 s1, $0x79;
	[tilespmem:v5+s28+$0x0] =	vst.idx.msk $0xffff, v4  }
0x10b: {  	v4 =	vld @!p0 [tilespmem:s3+$0x0];
	_ =	sdelay $0x4  }
0x10c: {  	(v2sf) =	vpush @!p0 v4, $0x0;
	_ =	sdelay $0xe  }
0x10d: {  	s1 =	spop @!p0 (v2sf)  }
0x10e: {  	s1 =	sand.u32 @!p0 $0xFFFFF80, s1  }
0x10f: {  	s17 =	simm.s32 @!p0 $0x7A1400;
	s3 =	simm.s32 @!p0 $0x400;
	s1 =	sadd.s32 @!p0 s0, s1  }
0x110: {  	[tilespmem:s16], [sflag:s11] =	stream.strided.gather @!p0 [hbm4b:s1+s3], $0x2000, s17, s3, $0x38;
	[tilespmem:$0x1C200] =	vst v63  }
0x111: {  	v4 =	vld @!p0 [tilespmem:s31+$0x0];
	_ =	sdelay $0x4  }
0x112: {  	(v2sf) =	vpush @!p0 v4, $0x0;
	_ =	sdelay $0xe  }
0x113: {  	s1 =	spop @!p0 (v2sf)  }
0x114: {  	s1 =	sand.u32 @!p0 $0xFFFFF80, s1  }
0x115: {  	s11 =	sadd.s32 $0xC200, s20;
	s1 =	sadd.s32 @!p0 s2, s1  }
0x116: {  	[tilespmem:s11], [sflag:s14] =	stream.strided.gather @!p0 [hbm4b:s1+s3], $0x2000, s17, s3, $0x38;
	[tilespmem:$0x1C200] =	vst v63  }
0x117: {  	_ = 	snop  }
0x118: {  	[hbm4b:s7+s12] =	stream.strided.scatter [tilespmem:s26], [sflag:$0xD], $0x2000, s29, s12, $0x38;
	[tilespmem:$0x1C200] =	vst v63  }
0x119: {  	s30 =	sadd.s32 $0x1, s30;
	_ =	swait.ge [sflag:s10], $0x2000  }
0x11a: {  	p0 =	sne.s32 s30, s9;
	[sflag:s10] =	ssyncset.done $0x0  }
.Ltmp1:
0x11b: {  	[sflag:s10] =	ssyncadd.s32 $0xFFFFE000;
	(pc) =	sbr.rel @p0 .LBB2_1-.Ltmp1, $4  }
0x11c: {  	[hbm4b:s8+s12] =	stream.strided.scatter [tilespmem:s28], [sflag:$0xD], $0x2000, s29, s12, $0x38;
	[tilespmem:$0x1C200] =	vst v63  }
0x11d: {  	_ =	swait.ge [sflag:s10], $0x2000  }
0x11e: {  	[sflag:s10] =	ssyncset.done $0x0  }
0x11f: {  	[sflag:s10] =	ssyncadd.s32 $0xFFFFE000  }
0x120: {  	_ =	sfence.sel $0x180000  }
0x121: {  	[bflag:$0x0] =	sbarrier.arrive $0xFFFF  }
0x122: {  	_ =	strace $0x90000047  }
0x123: {  	s0 =	stileid.u32;
	[bflag:$0x2] =	sbarrier.arrive $0xFFFF  }
0x124: {  	p0 =	sne.s32 s0, $0x0;
	s0 =	rddreg [dreg:$0x6]  }
0x125: {  	s0 =	sadd.s32 @!p0 $0x100000, s0  }
0x126: {  	[sflag:s0] =	ssyncadd.tile.s32 @!p0 $0x1;
	_ =	shalt  }
.Lfunc_end2:
_tile_overlayer_lowered:
.L_overlay_start_2:
0x127: {  	(tag) =	ssettag $0x2  }
0x128: {  	s0 =	rddreg [dreg:$0x0];
	s2 =	stileid.u32  }
0x129: {  	s1 =	rddreg [dreg:$0x1];
	p0 =	sne.s32 s2, $0x0  }
0x12a: {  	s3 =	rddreg [dreg:$0x2];
	[bflag:$0x3] =	sbarrier.arrive $0xFFFF;
	s2 =	simm.s32 @!p0 $0x1C0D  }
0x12b: {  	[timem:s3], [sflag:s2] =	dma.local @!p0 [hbm:s0], s1  }
0x12c: {  	s0 =	simm.s32 @!p0 $0xD  }
0x12d: {  	_ =	swait.ge @!p0 [sflag:s0], s1  }
0x12e: {  	s1 =	ssub.s32 @!p0 $0x0, s1;
	[sflag:s0] =	ssyncset.done @!p0 $0x0  }
0x12f: {  	[sflag:s0] =	ssyncadd.s32 @!p0 s1  }
0x130: {  	[bflag:$0x3] =	sbarrier.arrive $0xFFFF  }
0x131: {  	_ =	shalt  }

</sc_bundles>
